<compile_context>
chip_gen: v7x
topology: tpu7x:2x2x1
jax: 0.10.2.dev20260603
libtpu: 0.0.44.dev20260713+nightly
codegen_flags: <defaults>
</compile_context>

<pallas_src>
import functools

import jax
import jax.numpy as jnp
from jax import lax
from jax.experimental import pallas as pl
from jax.experimental.pallas import tpu as pltpu
from jax.experimental.pallas import tpu_sc as plsc

STATE_SIZE = 1000000
ACTION_SIZE = 64
BATCH = 16384

NUM_CORES = 2
NUM_SUBCORES = 16
NUM_WORKERS = NUM_CORES * NUM_SUBCORES
ROWS_PER_WORKER = BATCH // NUM_WORKERS
IDX_CHUNK = 128
NUM_CHUNKS = ROWS_PER_WORKER // IDX_CHUNK


def _sc_body(prefs_hbm, states_hbm, out_hbm, idx_v, rows_v, sem):
    wid = lax.axis_index("s") * NUM_CORES + lax.axis_index("c")
    base = wid * ROWS_PER_WORKER

    pltpu.sync_copy(states_hbm.at[pl.ds(base, ROWS_PER_WORKER)], idx_v)

    copies = []
    for j in range(NUM_CHUNKS):
        copies.append(
            pltpu.async_copy(
                prefs_hbm.at[idx_v.at[pl.ds(j * IDX_CHUNK, IDX_CHUNK)]],
                rows_v.at[pl.ds(j * IDX_CHUNK, IDX_CHUNK)],
                sem,
            )
        )
    for c in copies:
        c.wait()

    lanes = lax.iota(jnp.int32, 16)
    perms = [lanes ^ k for k in (1, 2, 4, 8)]

    dnums = lax.GatherDimensionNumbers(
        offset_dims=(), collapsed_slice_dims=(0,), start_index_map=(0,))

    def shuffle(v, p):
        return lax.gather(v, p[:, None], dnums, (1,),
                          mode=lax.GatherScatterMode.PROMISE_IN_BOUNDS)

    def butterfly(v, op):
        for p in perms:
            v = op(v, shuffle(v, p))
        return v

    def row_body(i, carry):
        r0 = rows_v[i, pl.ds(0, 16)]
        r1 = rows_v[i, pl.ds(16, 16)]
        r2 = rows_v[i, pl.ds(32, 16)]
        r3 = rows_v[i, pl.ds(48, 16)]
        m = butterfly(jnp.maximum(jnp.maximum(r0, r1), jnp.maximum(r2, r3)),
                      jnp.maximum)
        e0 = jnp.exp(r0 - m)
        e1 = jnp.exp(r1 - m)
        e2 = jnp.exp(r2 - m)
        e3 = jnp.exp(r3 - m)
        inv = 1.0 / butterfly((e0 + e1) + (e2 + e3), jnp.add)
        rows_v[i, pl.ds(0, 16)] = e0 * inv
        rows_v[i, pl.ds(16, 16)] = e1 * inv
        rows_v[i, pl.ds(32, 16)] = e2 * inv
        rows_v[i, pl.ds(48, 16)] = e3 * inv
        return carry

    lax.fori_loop(0, ROWS_PER_WORKER, row_body, 0, unroll=4)

    pltpu.sync_copy(rows_v, out_hbm.at[pl.ds(base, ROWS_PER_WORKER)])


@jax.jit
def _policy(states, prefs):
    mesh = plsc.VectorSubcoreMesh(core_axis_name="c", subcore_axis_name="s")
    run = pl.kernel(
        _sc_body,
        mesh=mesh,
        compiler_params=pltpu.CompilerParams(use_tc_tiling_on_sc=False),
        out_type=jax.ShapeDtypeStruct((BATCH, ACTION_SIZE), jnp.float32),
        scratch_types=[
            pltpu.VMEM((ROWS_PER_WORKER,), jnp.int32),
            pltpu.VMEM((ROWS_PER_WORKER, ACTION_SIZE), jnp.float32),
            pltpu.SemaphoreType.DMA,
        ],
    )
    return run(prefs, states)


def kernel(states, prefs):
    return _policy(states, prefs)

# --- scband reference (transcript-rebuilt; emitter-appended) ---
"""Pipeline reference for scband-tabular-policy-26972394619413 (READ-ONLY COPY).

The authoritative reference and input builder live on the scoring server;
editing this copy changes nothing except your own understanding.
"""

import jax, jax.numpy as jnp
import numpy as np

STATE_SIZE = 1000000
ACTION_SIZE = 64
BATCH = 16384

def setup_inputs(seed: int = 0) -> dict:
    key = jax.random.key(seed)
    k_idx, k_prefs = jax.random.split(key)
    states = jax.random.randint(k_idx, (BATCH,), 0, STATE_SIZE, dtype=jnp.int64 if jax.config.jax_enable_x64 else jnp.int32).astype(jnp.int32)
    # learned parameter: preference table [state_size, action_size]
    prefs = jax.random.normal(k_prefs, (STATE_SIZE, ACTION_SIZE), dtype=jnp.float32) * 0.02
    return {"states": states, "prefs": prefs}

def reference(states, prefs):
    # gather rows of the preference table, then softmax over actions
    gathered = jnp.take(prefs, states, axis=0)  # [B, action_size]
    return jax.nn.softmax(gathered, axis=-1)

if __name__ == "__main__":
    import jax
    _d = setup_inputs()
    print(jax.jit(kernel)(*tuple(_d.values())))

</pallas_src>

<mosaic_0001>
#map = affine_map<(d0, d1) -> (0, 0)>
#map1 = affine_map<(d0, d1) -> (0)>
module attributes {stable_mosaic.version = 14 : i64} {
  func.func @_sc_body(%arg0: i32, %arg1: i32, %arg2: memref<1000000x64xf32, #tpu.memory_space<hbm>>, %arg3: memref<16384xi32, #tpu.memory_space<hbm>>, %arg4: memref<16384x64xf32, #tpu.memory_space<hbm>>, %arg5: memref<512xi32, #tpu.memory_space<vmem>>, %arg6: memref<512x64xf32, #tpu.memory_space<vmem>>, %arg7: memref<!tpu.dma_semaphore, #tpu.memory_space<semaphore_mem>>) attributes {dimension_semantics = [#tpu.dimension_semantics<core_parallel>, #tpu.dimension_semantics<subcore_parallel>], iteration_bounds = array<i64: 2, 16>, scalar_prefetch = 0 : i64, scratch_operands = 3 : i64, tpu.core_type = #tpu.core_type<sc_vector_subcore>, window_params = [{transform_indices = #map}, {transform_indices = #map1}, {transform_indices = #map}]} {
    %mul3A = arith.constant 2 : i32
    %mul3A_0 = arith.muli %arg1, %mul3A : i32
    %add3A = arith.addi %mul3A_0, %arg0 : i32
    %mul3A_1 = arith.constant 512 : i32
    %mul3A_2 = arith.muli %add3A, %mul3A_1 : i32
    "tpu.region"() ({
      %run_scoped3A = tpu.sem_alloc : memref<!tpu.dma_semaphore, #tpu.memory_space<semaphore_mem>>
      %dma_start3A_81 = tpu.memref_slice %arg3[%mul3A_2] : memref<16384xi32, #tpu.memory_space<hbm>> -> memref<512xi32, #tpu.memory_space<hbm>>
      %dma_start3A_82 = tpu.memref_slice %arg3[%mul3A_2] : memref<16384xi32, #tpu.memory_space<hbm>> -> memref<512xi32, #tpu.memory_space<hbm>>
      tpu.enqueue_dma source(%dma_start3A_82 : memref<512xi32, #tpu.memory_space<hbm>>) target(%arg5 : memref<512xi32, #tpu.memory_space<vmem>>) target_semaphore(%run_scoped3A : memref<!tpu.dma_semaphore, #tpu.memory_space<semaphore_mem>>)
      %dma_wait3A_83 = tpu.memref_slice %arg3[%mul3A_2] : memref<16384xi32, #tpu.memory_space<hbm>> -> memref<512xi32, #tpu.memory_space<hbm>>
      %dma_wait3A_84 = tpu.memref_slice %arg3[%mul3A_2] : memref<16384xi32, #tpu.memory_space<hbm>> -> memref<512xi32, #tpu.memory_space<hbm>>
      tpu.wait_dma2 semaphore(%run_scoped3A : memref<!tpu.dma_semaphore, #tpu.memory_space<semaphore_mem>>) src(%dma_wait3A_84 : memref<512xi32, #tpu.memory_space<hbm>>) dst(%arg5 : memref<512xi32, #tpu.memory_space<vmem>>)
      tpu.yield
    }) : () -> ()
    %dma_start3A = arith.constant 0 : i32
    %dma_start3A_3 = arith.constant 0 : i32
    %dma_start3A_4 = tpu.memref_slice %arg6[%dma_start3A, %dma_start3A_3] : memref<512x64xf32, #tpu.memory_space<vmem>> -> memref<128x64xf32, #tpu.memory_space<vmem>>
    %dma_start3A_5 = arith.constant 0 : i32
    %dma_start3A_6 = tpu.memref_slice %arg5[%dma_start3A_5] : memref<512xi32, #tpu.memory_space<vmem>> -> memref<128xi32, #tpu.memory_space<vmem>>
    %dma_start3A_7 = arith.constant 0 : i32
    %dma_start3A_8 = arith.constant 0 : i32
    %dma_start3A_9 = tpu.memref_slice %arg2[%dma_start3A_7, %dma_start3A_8] : memref<1000000x64xf32, #tpu.memory_space<hbm>> -> memref<1000000x64xf32, #tpu.memory_space<hbm>>
    tpu.enqueue_indirect_dma source(%dma_start3A_9 : memref<1000000x64xf32, #tpu.memory_space<hbm>>) target(%dma_start3A_4 : memref<128x64xf32, #tpu.memory_space<vmem>>) offsets(%dma_start3A_6 : memref<128xi32, #tpu.memory_space<vmem>>) semaphore(%arg7 : memref<!tpu.dma_semaphore, #tpu.memory_space<semaphore_mem>>)
    %dma_start3A_10 = arith.constant 128 : i32
    %dma_start3A_11 = arith.constant 0 : i32
    %dma_start3A_12 = tpu.memref_slice %arg6[%dma_start3A_10, %dma_start3A_11] : memref<512x64xf32, #tpu.memory_space<vmem>> -> memref<128x64xf32, #tpu.memory_space<vmem>>
    %dma_start3A_13 = arith.constant 128 : i32
    %dma_start3A_14 = tpu.memref_slice %arg5[%dma_start3A_13] : memref<512xi32, #tpu.memory_space<vmem>> -> memref<128xi32, #tpu.memory_space<vmem>>
    %dma_start3A_15 = arith.constant 0 : i32
    %dma_start3A_16 = arith.constant 0 : i32
    %dma_start3A_17 = tpu.memref_slice %arg2[%dma_start3A_15, %dma_start3A_16] : memref<1000000x64xf32, #tpu.memory_space<hbm>> -> memref<1000000x64xf32, #tpu.memory_space<hbm>>
    tpu.enqueue_indirect_dma source(%dma_start3A_17 : memref<1000000x64xf32, #tpu.memory_space<hbm>>) target(%dma_start3A_12 : memref<128x64xf32, #tpu.memory_space<vmem>>) offsets(%dma_start3A_14 : memref<128xi32, #tpu.memory_space<vmem>>) semaphore(%arg7 : memref<!tpu.dma_semaphore, #tpu.memory_space<semaphore_mem>>)
    %dma_start3A_18 = arith.constant 256 : i32
    %dma_start3A_19 = arith.constant 0 : i32
    %dma_start3A_20 = tpu.memref_slice %arg6[%dma_start3A_18, %dma_start3A_19] : memref<512x64xf32, #tpu.memory_space<vmem>> -> memref<128x64xf32, #tpu.memory_space<vmem>>
    %dma_start3A_21 = arith.constant 256 : i32
    %dma_start3A_22 = tpu.memref_slice %arg5[%dma_start3A_21] : memref<512xi32, #tpu.memory_space<vmem>> -> memref<128xi32, #tpu.memory_space<vmem>>
    %dma_start3A_23 = arith.constant 0 : i32
    %dma_start3A_24 = arith.constant 0 : i32
    %dma_start3A_25 = tpu.memref_slice %arg2[%dma_start3A_23, %dma_start3A_24] : memref<1000000x64xf32, #tpu.memory_space<hbm>> -> memref<1000000x64xf32, #tpu.memory_space<hbm>>
    tpu.enqueue_indirect_dma source(%dma_start3A_25 : memref<1000000x64xf32, #tpu.memory_space<hbm>>) target(%dma_start3A_20 : memref<128x64xf32, #tpu.memory_space<vmem>>) offsets(%dma_start3A_22 : memref<128xi32, #tpu.memory_space<vmem>>) semaphore(%arg7 : memref<!tpu.dma_semaphore, #tpu.memory_space<semaphore_mem>>)
    %dma_start3A_26 = arith.constant 384 : i32
    %dma_start3A_27 = arith.constant 0 : i32
    %dma_start3A_28 = tpu.memref_slice %arg6[%dma_start3A_26, %dma_start3A_27] : memref<512x64xf32, #tpu.memory_space<vmem>> -> memref<128x64xf32, #tpu.memory_space<vmem>>
    %dma_start3A_29 = arith.constant 384 : i32
    %dma_start3A_30 = tpu.memref_slice %arg5[%dma_start3A_29] : memref<512xi32, #tpu.memory_space<vmem>> -> memref<128xi32, #tpu.memory_space<vmem>>
    %dma_start3A_31 = arith.constant 0 : i32
    %dma_start3A_32 = arith.constant 0 : i32
    %dma_start3A_33 = tpu.memref_slice %arg2[%dma_start3A_31, %dma_start3A_32] : memref<1000000x64xf32, #tpu.memory_space<hbm>> -> memref<1000000x64xf32, #tpu.memory_space<hbm>>
    tpu.enqueue_indirect_dma source(%dma_start3A_33 : memref<1000000x64xf32, #tpu.memory_space<hbm>>) target(%dma_start3A_28 : memref<128x64xf32, #tpu.memory_space<vmem>>) offsets(%dma_start3A_30 : memref<128xi32, #tpu.memory_space<vmem>>) semaphore(%arg7 : memref<!tpu.dma_semaphore, #tpu.memory_space<semaphore_mem>>)
    %dma_wait3A = arith.constant 0 : i32
    %dma_wait3A_34 = arith.constant 0 : i32
    %dma_wait3A_35 = tpu.memref_slice %arg6[%dma_wait3A, %dma_wait3A_34] : memref<512x64xf32, #tpu.memory_space<vmem>> -> memref<128x64xf32, #tpu.memory_space<vmem>>
    %dma_wait3A_36 = arith.constant 0 : i32
    %dma_wait3A_37 = tpu.memref_slice %arg5[%dma_wait3A_36] : memref<512xi32, #tpu.memory_space<vmem>> -> memref<128xi32, #tpu.memory_space<vmem>>
    %dma_wait3A_38 = arith.constant 0 : i32
    %dma_wait3A_39 = arith.constant 0 : i32
    %dma_wait3A_40 = tpu.memref_slice %arg2[%dma_wait3A_38, %dma_wait3A_39] : memref<1000000x64xf32, #tpu.memory_space<hbm>> -> memref<1000000x64xf32, #tpu.memory_space<hbm>>
    tpu.wait_indirect_dma semaphore(%arg7 : memref<!tpu.dma_semaphore, #tpu.memory_space<semaphore_mem>>) src(%dma_wait3A_40 : memref<1000000x64xf32, #tpu.memory_space<hbm>>) dst(%dma_wait3A_35 : memref<128x64xf32, #tpu.memory_space<vmem>>)
    %dma_wait3A_41 = arith.constant 128 : i32
    %dma_wait3A_42 = arith.constant 0 : i32
    %dma_wait3A_43 = tpu.memref_slice %arg6[%dma_wait3A_41, %dma_wait3A_42] : memref<512x64xf32, #tpu.memory_space<vmem>> -> memref<128x64xf32, #tpu.memory_space<vmem>>
    %dma_wait3A_44 = arith.constant 128 : i32
    %dma_wait3A_45 = tpu.memref_slice %arg5[%dma_wait3A_44] : memref<512xi32, #tpu.memory_space<vmem>> -> memref<128xi32, #tpu.memory_space<vmem>>
    %dma_wait3A_46 = arith.constant 0 : i32
    %dma_wait3A_47 = arith.constant 0 : i32
    %dma_wait3A_48 = tpu.memref_slice %arg2[%dma_wait3A_46, %dma_wait3A_47] : memref<1000000x64xf32, #tpu.memory_space<hbm>> -> memref<1000000x64xf32, #tpu.memory_space<hbm>>
    tpu.wait_indirect_dma semaphore(%arg7 : memref<!tpu.dma_semaphore, #tpu.memory_space<semaphore_mem>>) src(%dma_wait3A_48 : memref<1000000x64xf32, #tpu.memory_space<hbm>>) dst(%dma_wait3A_43 : memref<128x64xf32, #tpu.memory_space<vmem>>)
    %dma_wait3A_49 = arith.constant 256 : i32
    %dma_wait3A_50 = arith.constant 0 : i32
    %dma_wait3A_51 = tpu.memref_slice %arg6[%dma_wait3A_49, %dma_wait3A_50] : memref<512x64xf32, #tpu.memory_space<vmem>> -> memref<128x64xf32, #tpu.memory_space<vmem>>
    %dma_wait3A_52 = arith.constant 256 : i32
    %dma_wait3A_53 = tpu.memref_slice %arg5[%dma_wait3A_52] : memref<512xi32, #tpu.memory_space<vmem>> -> memref<128xi32, #tpu.memory_space<vmem>>
    %dma_wait3A_54 = arith.constant 0 : i32
    %dma_wait3A_55 = arith.constant 0 : i32
    %dma_wait3A_56 = tpu.memref_slice %arg2[%dma_wait3A_54, %dma_wait3A_55] : memref<1000000x64xf32, #tpu.memory_space<hbm>> -> memref<1000000x64xf32, #tpu.memory_space<hbm>>
    tpu.wait_indirect_dma semaphore(%arg7 : memref<!tpu.dma_semaphore, #tpu.memory_space<semaphore_mem>>) src(%dma_wait3A_56 : memref<1000000x64xf32, #tpu.memory_space<hbm>>) dst(%dma_wait3A_51 : memref<128x64xf32, #tpu.memory_space<vmem>>)
    %dma_wait3A_57 = arith.constant 384 : i32
    %dma_wait3A_58 = arith.constant 0 : i32
    %dma_wait3A_59 = tpu.memref_slice %arg6[%dma_wait3A_57, %dma_wait3A_58] : memref<512x64xf32, #tpu.memory_space<vmem>> -> memref<128x64xf32, #tpu.memory_space<vmem>>
    %dma_wait3A_60 = arith.constant 384 : i32
    %dma_wait3A_61 = tpu.memref_slice %arg5[%dma_wait3A_60] : memref<512xi32, #tpu.memory_space<vmem>> -> memref<128xi32, #tpu.memory_space<vmem>>
    %dma_wait3A_62 = arith.constant 0 : i32
    %dma_wait3A_63 = arith.constant 0 : i32
    %dma_wait3A_64 = tpu.memref_slice %arg2[%dma_wait3A_62, %dma_wait3A_63] : memref<1000000x64xf32, #tpu.memory_space<hbm>> -> memref<1000000x64xf32, #tpu.memory_space<hbm>>
    tpu.wait_indirect_dma semaphore(%arg7 : memref<!tpu.dma_semaphore, #tpu.memory_space<semaphore_mem>>) src(%dma_wait3A_64 : memref<1000000x64xf32, #tpu.memory_space<hbm>>) dst(%dma_wait3A_59 : memref<128x64xf32, #tpu.memory_space<vmem>>)
    %iota3A = tpu.iota {dimensions = array<i32: 0>} : vector<16xi32>
    %xor3A = arith.constant 1 : i32
    %xor3A_65 = vector.broadcast %xor3A : i32 to vector<16xi32>
    %xor3A_66 = arith.xori %iota3A, %xor3A_65 : vector<16xi32>
    %xor3A_67 = arith.constant 2 : i32
    %xor3A_68 = vector.broadcast %xor3A_67 : i32 to vector<16xi32>
    %xor3A_69 = arith.xori %iota3A, %xor3A_68 : vector<16xi32>
    %xor3A_70 = arith.constant 4 : i32
    %xor3A_71 = vector.broadcast %xor3A_70 : i32 to vector<16xi32>
    %xor3A_72 = arith.xori %iota3A, %xor3A_71 : vector<16xi32>
    %xor3A_73 = arith.constant 8 : i32
    %xor3A_74 = vector.broadcast %xor3A_73 : i32 to vector<16xi32>
    %xor3A_75 = arith.xori %iota3A, %xor3A_74 : vector<16xi32>
    %scan3A = arith.constant 0 : i32
    %scan3A_76 = arith.constant 0 : i32
    %scan3A_77 = arith.constant 512 : i32
    %scan3A_78 = arith.addi %scan3A_76, %scan3A_77 : i32
    %scan3A_79 = arith.constant 4 : i32
    scf.for %scan3A_81 = %scan3A_76 to %scan3A_78 step %scan3A_79  : i32 {
      %get3A = arith.index_cast %scan3A_81 : i32 to index
      %get3A_82 = arith.constant 0 : index
      %get3A_83 = tpu.vector_load %arg6[%get3A, %get3A_82] {strides = array<i32>} : memref<512x64xf32, #tpu.memory_space<vmem>>, vector<1x16xf32>,
      %get3A_84 = vector.shape_cast %get3A_83 : vector<1x16xf32> to vector<16xf32>
      %get3A_85 = arith.index_cast %scan3A_81 : i32 to index
      %get3A_86 = arith.constant 16 : index
      %get3A_87 = tpu.vector_load %arg6[%get3A_85, %get3A_86] {strides = array<i32>} : memref<512x64xf32, #tpu.memory_space<vmem>>, vector<1x16xf32>,
      %get3A_88 = vector.shape_cast %get3A_87 : vector<1x16xf32> to vector<16xf32>
      %get3A_89 = arith.index_cast %scan3A_81 : i32 to index
      %get3A_90 = arith.constant 32 : index
      %get3A_91 = tpu.vector_load %arg6[%get3A_89, %get3A_90] {strides = array<i32>} : memref<512x64xf32, #tpu.memory_space<vmem>>, vector<1x16xf32>,
      %get3A_92 = vector.shape_cast %get3A_91 : vector<1x16xf32> to vector<16xf32>
      %get3A_93 = arith.index_cast %scan3A_81 : i32 to index
      %get3A_94 = arith.constant 48 : index
      %get3A_95 = tpu.vector_load %arg6[%get3A_93, %get3A_94] {strides = array<i32>} : memref<512x64xf32, #tpu.memory_space<vmem>>, vector<1x16xf32>,
      %get3A_96 = vector.shape_cast %get3A_95 : vector<1x16xf32> to vector<16xf32>
      %max3A = arith.maximumf %get3A_84, %get3A_88 : vector<16xf32>
      %max3A_97 = arith.maximumf %get3A_92, %get3A_96 : vector<16xf32>
      %max3A_98 = arith.maximumf %max3A, %max3A_97 : vector<16xf32>
      %broadcast_in_dim3A = vector.shape_cast %xor3A_66 : vector<16xi32> to vector<16x1xi32>
      %gather3A = vector.shape_cast %broadcast_in_dim3A : vector<16x1xi32> to vector<16xi32>
      %gather3A_99 = tpu.dynamic_gather %max3A_98[%gather3A] in [0] : vector<16xf32>, vector<16xi32> -> vector<16xf32>
      %max3A_100 = arith.maximumf %max3A_98, %gather3A_99 : vector<16xf32>
      %broadcast_in_dim3A_101 = vector.shape_cast %xor3A_69 : vector<16xi32> to vector<16x1xi32>
      %gather3A_102 = vector.shape_cast %broadcast_in_dim3A_101 : vector<16x1xi32> to vector<16xi32>
      %gather3A_103 = tpu.dynamic_gather %max3A_100[%gather3A_102] in [0] : vector<16xf32>, vector<16xi32> -> vector<16xf32>
      %max3A_104 = arith.maximumf %max3A_100, %gather3A_103 : vector<16xf32>
      %broadcast_in_dim3A_105 = vector.shape_cast %xor3A_72 : vector<16xi32> to vector<16x1xi32>
      %gather3A_106 = vector.shape_cast %broadcast_in_dim3A_105 : vector<16x1xi32> to vector<16xi32>
      %gather3A_107 = tpu.dynamic_gather %max3A_104[%gather3A_106] in [0] : vector<16xf32>, vector<16xi32> -> vector<16xf32>
      %max3A_108 = arith.maximumf %max3A_104, %gather3A_107 : vector<16xf32>
      %broadcast_in_dim3A_109 = vector.shape_cast %xor3A_75 : vector<16xi32> to vector<16x1xi32>
      %gather3A_110 = vector.shape_cast %broadcast_in_dim3A_109 : vector<16x1xi32> to vector<16xi32>
      %gather3A_111 = tpu.dynamic_gather %max3A_108[%gather3A_110] in [0] : vector<16xf32>, vector<16xi32> -> vector<16xf32>
      %max3A_112 = arith.maximumf %max3A_108, %gather3A_111 : vector<16xf32>
      %sub3A = arith.subf %get3A_84, %max3A_112 : vector<16xf32>
      %exp3A = math.exp %sub3A : vector<16xf32>
      %sub3A_113 = arith.subf %get3A_88, %max3A_112 : vector<16xf32>
      %exp3A_114 = math.exp %sub3A_113 : vector<16xf32>
      %sub3A_115 = arith.subf %get3A_92, %max3A_112 : vector<16xf32>
      %exp3A_116 = math.exp %sub3A_115 : vector<16xf32>
      %sub3A_117 = arith.subf %get3A_96, %max3A_112 : vector<16xf32>
      %exp3A_118 = math.exp %sub3A_117 : vector<16xf32>
      %add3A_119 = arith.addf %exp3A, %exp3A_114 : vector<16xf32>
      %add3A_120 = arith.addf %exp3A_116, %exp3A_118 : vector<16xf32>
      %add3A_121 = arith.addf %add3A_119, %add3A_120 : vector<16xf32>
      %broadcast_in_dim3A_122 = vector.shape_cast %xor3A_66 : vector<16xi32> to vector<16x1xi32>
      %gather3A_123 = vector.shape_cast %broadcast_in_dim3A_122 : vector<16x1xi32> to vector<16xi32>
      %gather3A_124 = tpu.dynamic_gather %add3A_121[%gather3A_123] in [0] : vector<16xf32>, vector<16xi32> -> vector<16xf32>
      %add3A_125 = arith.addf %add3A_121, %gather3A_124 : vector<16xf32>
      %broadcast_in_dim3A_126 = vector.shape_cast %xor3A_69 : vector<16xi32> to vector<16x1xi32>
      %gather3A_127 = vector.shape_cast %broadcast_in_dim3A_126 : vector<16x1xi32> to vector<16xi32>
      %gather3A_128 = tpu.dynamic_gather %add3A_125[%gather3A_127] in [0] : vector<16xf32>, vector<16xi32> -> vector<16xf32>
      %add3A_129 = arith.addf %add3A_125, %gather3A_128 : vector<16xf32>
      %broadcast_in_dim3A_130 = vector.shape_cast %xor3A_72 : vector<16xi32> to vector<16x1xi32>
      %gather3A_131 = vector.shape_cast %broadcast_in_dim3A_130 : vector<16x1xi32> to vector<16xi32>
      %gather3A_132 = tpu.dynamic_gather %add3A_129[%gather3A_131] in [0] : vector<16xf32>, vector<16xi32> -> vector<16xf32>
      %add3A_133 = arith.addf %add3A_129, %gather3A_132 : vector<16xf32>
      %broadcast_in_dim3A_134 = vector.shape_cast %xor3A_75 : vector<16xi32> to vector<16x1xi32>
      %gather3A_135 = vector.shape_cast %broadcast_in_dim3A_134 : vector<16x1xi32> to vector<16xi32>
      %gather3A_136 = tpu.dynamic_gather %add3A_133[%gather3A_135] in [0] : vector<16xf32>, vector<16xi32> -> vector<16xf32>
      %add3A_137 = arith.addf %add3A_133, %gather3A_136 : vector<16xf32>
      %div3A = arith.constant 1.000000e+00 : f32
      %div3A_138 = vector.broadcast %div3A : f32 to vector<16xf32>
      %div3A_139 = arith.divf %div3A_138, %add3A_137 : vector<16xf32>
      %mul3A_140 = arith.mulf %exp3A, %div3A_139 : vector<16xf32>
      %swap3A = arith.index_cast %scan3A_81 : i32 to index
      %swap3A_141 = arith.constant 0 : index
      %swap3A_142 = tpu.vector_load %arg6[%swap3A, %swap3A_141] {strides = array<i32>} : memref<512x64xf32, #tpu.memory_space<vmem>>, vector<1x16xf32>,
      %swap3A_143 = vector.shape_cast %swap3A_142 : vector<1x16xf32> to vector<16xf32>
      %swap3A_144 = vector.shape_cast %mul3A_140 : vector<16xf32> to vector<1x16xf32>
      tpu.vector_store %arg6[%swap3A, %swap3A_141], %swap3A_144 {strides = array<i32>} : memref<512x64xf32, #tpu.memory_space<vmem>>, vector<1x16xf32>,
      %mul3A_145 = arith.mulf %exp3A_114, %div3A_139 : vector<16xf32>
      %swap3A_146 = arith.index_cast %scan3A_81 : i32 to index
      %swap3A_147 = arith.constant 16 : index
      %swap3A_148 = tpu.vector_load %arg6[%swap3A_146, %swap3A_147] {strides = array<i32>} : memref<512x64xf32, #tpu.memory_space<vmem>>, vector<1x16xf32>,
      %swap3A_149 = vector.shape_cast %swap3A_148 : vector<1x16xf32> to vector<16xf32>
      %swap3A_150 = vector.shape_cast %mul3A_145 : vector<16xf32> to vector<1x16xf32>
      tpu.vector_store %arg6[%swap3A_146, %swap3A_147], %swap3A_150 {strides = array<i32>} : memref<512x64xf32, #tpu.memory_space<vmem>>, vector<1x16xf32>,
      %mul3A_151 = arith.mulf %exp3A_116, %div3A_139 : vector<16xf32>
      %swap3A_152 = arith.index_cast %scan3A_81 : i32 to index
      %swap3A_153 = arith.constant 32 : index
      %swap3A_154 = tpu.vector_load %arg6[%swap3A_152, %swap3A_153] {strides = array<i32>} : memref<512x64xf32, #tpu.memory_space<vmem>>, vector<1x16xf32>,
      %swap3A_155 = vector.shape_cast %swap3A_154 : vector<1x16xf32> to vector<16xf32>
      %swap3A_156 = vector.shape_cast %mul3A_151 : vector<16xf32> to vector<1x16xf32>
      tpu.vector_store %arg6[%swap3A_152, %swap3A_153], %swap3A_156 {strides = array<i32>} : memref<512x64xf32, #tpu.memory_space<vmem>>, vector<1x16xf32>,
      %mul3A_157 = arith.mulf %exp3A_118, %div3A_139 : vector<16xf32>
      %swap3A_158 = arith.index_cast %scan3A_81 : i32 to index
      %swap3A_159 = arith.constant 48 : index
      %swap3A_160 = tpu.vector_load %arg6[%swap3A_158, %swap3A_159] {strides = array<i32>} : memref<512x64xf32, #tpu.memory_space<vmem>>, vector<1x16xf32>,
      %swap3A_161 = vector.shape_cast %swap3A_160 : vector<1x16xf32> to vector<16xf32>
      %swap3A_162 = vector.shape_cast %mul3A_157 : vector<16xf32> to vector<1x16xf32>
      tpu.vector_store %arg6[%swap3A_158, %swap3A_159], %swap3A_162 {strides = array<i32>} : memref<512x64xf32, #tpu.memory_space<vmem>>, vector<1x16xf32>,
      %scan3A_163 = arith.constant 1 : i32
      %scan3A_164 = arith.addi %scan3A_81, %scan3A_163 : i32
      %get3A_165 = arith.index_cast %scan3A_164 : i32 to index
      %get3A_166 = arith.constant 0 : index
      %get3A_167 = tpu.vector_load %arg6[%get3A_165, %get3A_166] {strides = array<i32>} : memref<512x64xf32, #tpu.memory_space<vmem>>, vector<1x16xf32>,
      %get3A_168 = vector.shape_cast %get3A_167 : vector<1x16xf32> to vector<16xf32>
      %get3A_169 = arith.index_cast %scan3A_164 : i32 to index
      %get3A_170 = arith.constant 16 : index
      %get3A_171 = tpu.vector_load %arg6[%get3A_169, %get3A_170] {strides = array<i32>} : memref<512x64xf32, #tpu.memory_space<vmem>>, vector<1x16xf32>,
      %get3A_172 = vector.shape_cast %get3A_171 : vector<1x16xf32> to vector<16xf32>
      %get3A_173 = arith.index_cast %scan3A_164 : i32 to index
      %get3A_174 = arith.constant 32 : index
      %get3A_175 = tpu.vector_load %arg6[%get3A_173, %get3A_174] {strides = array<i32>} : memref<512x64xf32, #tpu.memory_space<vmem>>, vector<1x16xf32>,
      %get3A_176 = vector.shape_cast %get3A_175 : vector<1x16xf32> to vector<16xf32>
      %get3A_177 = arith.index_cast %scan3A_164 : i32 to index
      %get3A_178 = arith.constant 48 : index
      %get3A_179 = tpu.vector_load %arg6[%get3A_177, %get3A_178] {strides = array<i32>} : memref<512x64xf32, #tpu.memory_space<vmem>>, vector<1x16xf32>,
      %get3A_180 = vector.shape_cast %get3A_179 : vector<1x16xf32> to vector<16xf32>
      %max3A_181 = arith.maximumf %get3A_168, %get3A_172 : vector<16xf32>
      %max3A_182 = arith.maximumf %get3A_176, %get3A_180 : vector<16xf32>
      %max3A_183 = arith.maximumf %max3A_181, %max3A_182 : vector<16xf32>
      %broadcast_in_dim3A_184 = vector.shape_cast %xor3A_66 : vector<16xi32> to vector<16x1xi32>
      %gather3A_185 = vector.shape_cast %broadcast_in_dim3A_184 : vector<16x1xi32> to vector<16xi32>
      %gather3A_186 = tpu.dynamic_gather %max3A_183[%gather3A_185] in [0] : vector<16xf32>, vector<16xi32> -> vector<16xf32>
      %max3A_187 = arith.maximumf %max3A_183, %gather3A_186 : vector<16xf32>
      %broadcast_in_dim3A_188 = vector.shape_cast %xor3A_69 : vector<16xi32> to vector<16x1xi32>
      %gather3A_189 = vector.shape_cast %broadcast_in_dim3A_188 : vector<16x1xi32> to vector<16xi32>
      %gather3A_190 = tpu.dynamic_gather %max3A_187[%gather3A_189] in [0] : vector<16xf32>, vector<16xi32> -> vector<16xf32>
      %max3A_191 = arith.maximumf %max3A_187, %gather3A_190 : vector<16xf32>
      %broadcast_in_dim3A_192 = vector.shape_cast %xor3A_72 : vector<16xi32> to vector<16x1xi32>
      %gather3A_193 = vector.shape_cast %broadcast_in_dim3A_192 : vector<16x1xi32> to vector<16xi32>
      %gather3A_194 = tpu.dynamic_gather %max3A_191[%gather3A_193] in [0] : vector<16xf32>, vector<16xi32> -> vector<16xf32>
      %max3A_195 = arith.maximumf %max3A_191, %gather3A_194 : vector<16xf32>
      %broadcast_in_dim3A_196 = vector.shape_cast %xor3A_75 : vector<16xi32> to vector<16x1xi32>
      %gather3A_197 = vector.shape_cast %broadcast_in_dim3A_196 : vector<16x1xi32> to vector<16xi32>
      %gather3A_198 = tpu.dynamic_gather %max3A_195[%gather3A_197] in [0] : vector<16xf32>, vector<16xi32> -> vector<16xf32>
      %max3A_199 = arith.maximumf %max3A_195, %gather3A_198 : vector<16xf32>
      %sub3A_200 = arith.subf %get3A_168, %max3A_199 : vector<16xf32>
      %exp3A_201 = math.exp %sub3A_200 : vector<16xf32>
      %sub3A_202 = arith.subf %get3A_172, %max3A_199 : vector<16xf32>
      %exp3A_203 = math.exp %sub3A_202 : vector<16xf32>
      %sub3A_204 = arith.subf %get3A_176, %max3A_199 : vector<16xf32>
      %exp3A_205 = math.exp %sub3A_204 : vector<16xf32>
      %sub3A_206 = arith.subf %get3A_180, %max3A_199 : vector<16xf32>
      %exp3A_207 = math.exp %sub3A_206 : vector<16xf32>
      %add3A_208 = arith.addf %exp3A_201, %exp3A_203 : vector<16xf32>
      %add3A_209 = arith.addf %exp3A_205, %exp3A_207 : vector<16xf32>
      %add3A_210 = arith.addf %add3A_208, %add3A_209 : vector<16xf32>
      %broadcast_in_dim3A_211 = vector.shape_cast %xor3A_66 : vector<16xi32> to vector<16x1xi32>
      %gather3A_212 = vector.shape_cast %broadcast_in_dim3A_211 : vector<16x1xi32> to vector<16xi32>
      %gather3A_213 = tpu.dynamic_gather %add3A_210[%gather3A_212] in [0] : vector<16xf32>, vector<16xi32> -> vector<16xf32>
      %add3A_214 = arith.addf %add3A_210, %gather3A_213 : vector<16xf32>
      %broadcast_in_dim3A_215 = vector.shape_cast %xor3A_69 : vector<16xi32> to vector<16x1xi32>
      %gather3A_216 = vector.shape_cast %broadcast_in_dim3A_215 : vector<16x1xi32> to vector<16xi32>
      %gather3A_217 = tpu.dynamic_gather %add3A_214[%gather3A_216] in [0] : vector<16xf32>, vector<16xi32> -> vector<16xf32>
      %add3A_218 = arith.addf %add3A_214, %gather3A_217 : vector<16xf32>
      %broadcast_in_dim3A_219 = vector.shape_cast %xor3A_72 : vector<16xi32> to vector<16x1xi32>
      %gather3A_220 = vector.shape_cast %broadcast_in_dim3A_219 : vector<16x1xi32> to vector<16xi32>
      %gather3A_221 = tpu.dynamic_gather %add3A_218[%gather3A_220] in [0] : vector<16xf32>, vector<16xi32> -> vector<16xf32>
      %add3A_222 = arith.addf %add3A_218, %gather3A_221 : vector<16xf32>
      %broadcast_in_dim3A_223 = vector.shape_cast %xor3A_75 : vector<16xi32> to vector<16x1xi32>
      %gather3A_224 = vector.shape_cast %broadcast_in_dim3A_223 : vector<16x1xi32> to vector<16xi32>
      %gather3A_225 = tpu.dynamic_gather %add3A_222[%gather3A_224] in [0] : vector<16xf32>, vector<16xi32> -> vector<16xf32>
      %add3A_226 = arith.addf %add3A_222, %gather3A_225 : vector<16xf32>
      %div3A_227 = arith.constant 1.000000e+00 : f32
      %div3A_228 = vector.broadcast %div3A_227 : f32 to vector<16xf32>
      %div3A_229 = arith.divf %div3A_228, %add3A_226 : vector<16xf32>
      %mul3A_230 = arith.mulf %exp3A_201, %div3A_229 : vector<16xf32>
      %swap3A_231 = arith.index_cast %scan3A_164 : i32 to index
      %swap3A_232 = arith.constant 0 : index
      %swap3A_233 = tpu.vector_load %arg6[%swap3A_231, %swap3A_232] {strides = array<i32>} : memref<512x64xf32, #tpu.memory_space<vmem>>, vector<1x16xf32>,
      %swap3A_234 = vector.shape_cast %swap3A_233 : vector<1x16xf32> to vector<16xf32>
      %swap3A_235 = vector.shape_cast %mul3A_230 : vector<16xf32> to vector<1x16xf32>
      tpu.vector_store %arg6[%swap3A_231, %swap3A_232], %swap3A_235 {strides = array<i32>} : memref<512x64xf32, #tpu.memory_space<vmem>>, vector<1x16xf32>,
      %mul3A_236 = arith.mulf %exp3A_203, %div3A_229 : vector<16xf32>
      %swap3A_237 = arith.index_cast %scan3A_164 : i32 to index
      %swap3A_238 = arith.constant 16 : index
      %swap3A_239 = tpu.vector_load %arg6[%swap3A_237, %swap3A_238] {strides = array<i32>} : memref<512x64xf32, #tpu.memory_space<vmem>>, vector<1x16xf32>,
      %swap3A_240 = vector.shape_cast %swap3A_239 : vector<1x16xf32> to vector<16xf32>
      %swap3A_241 = vector.shape_cast %mul3A_236 : vector<16xf32> to vector<1x16xf32>
      tpu.vector_store %arg6[%swap3A_237, %swap3A_238], %swap3A_241 {strides = array<i32>} : memref<512x64xf32, #tpu.memory_space<vmem>>, vector<1x16xf32>,
      %mul3A_242 = arith.mulf %exp3A_205, %div3A_229 : vector<16xf32>
      %swap3A_243 = arith.index_cast %scan3A_164 : i32 to index
      %swap3A_244 = arith.constant 32 : index
      %swap3A_245 = tpu.vector_load %arg6[%swap3A_243, %swap3A_244] {strides = array<i32>} : memref<512x64xf32, #tpu.memory_space<vmem>>, vector<1x16xf32>,
      %swap3A_246 = vector.shape_cast %swap3A_245 : vector<1x16xf32> to vector<16xf32>
      %swap3A_247 = vector.shape_cast %mul3A_242 : vector<16xf32> to vector<1x16xf32>
      tpu.vector_store %arg6[%swap3A_243, %swap3A_244], %swap3A_247 {strides = array<i32>} : memref<512x64xf32, #tpu.memory_space<vmem>>, vector<1x16xf32>,
      %mul3A_248 = arith.mulf %exp3A_207, %div3A_229 : vector<16xf32>
      %swap3A_249 = arith.index_cast %scan3A_164 : i32 to index
      %swap3A_250 = arith.constant 48 : index
      %swap3A_251 = tpu.vector_load %arg6[%swap3A_249, %swap3A_250] {strides = array<i32>} : memref<512x64xf32, #tpu.memory_space<vmem>>, vector<1x16xf32>,
      %swap3A_252 = vector.shape_cast %swap3A_251 : vector<1x16xf32> to vector<16xf32>
      %swap3A_253 = vector.shape_cast %mul3A_248 : vector<16xf32> to vector<1x16xf32>
      tpu.vector_store %arg6[%swap3A_249, %swap3A_250], %swap3A_253 {strides = array<i32>} : memref<512x64xf32, #tpu.memory_space<vmem>>, vector<1x16xf32>,
      %scan3A_254 = arith.constant 2 : i32
      %scan3A_255 = arith.addi %scan3A_81, %scan3A_254 : i32
      %get3A_256 = arith.index_cast %scan3A_255 : i32 to index
      %get3A_257 = arith.constant 0 : index
      %get3A_258 = tpu.vector_load %arg6[%get3A_256, %get3A_257] {strides = array<i32>} : memref<512x64xf32, #tpu.memory_space<vmem>>, vector<1x16xf32>,
      %get3A_259 = vector.shape_cast %get3A_258 : vector<1x16xf32> to vector<16xf32>
      %get3A_260 = arith.index_cast %scan3A_255 : i32 to index
      %get3A_261 = arith.constant 16 : index
      %get3A_262 = tpu.vector_load %arg6[%get3A_260, %get3A_261] {strides = array<i32>} : memref<512x64xf32, #tpu.memory_space<vmem>>, vector<1x16xf32>,
      %get3A_263 = vector.shape_cast %get3A_262 : vector<1x16xf32> to vector<16xf32>
      %get3A_264 = arith.index_cast %scan3A_255 : i32 to index
      %get3A_265 = arith.constant 32 : index
      %get3A_266 = tpu.vector_load %arg6[%get3A_264, %get3A_265] {strides = array<i32>} : memref<512x64xf32, #tpu.memory_space<vmem>>, vector<1x16xf32>,
      %get3A_267 = vector.shape_cast %get3A_266 : vector<1x16xf32> to vector<16xf32>
      %get3A_268 = arith.index_cast %scan3A_255 : i32 to index
      %get3A_269 = arith.constant 48 : index
      %get3A_270 = tpu.vector_load %arg6[%get3A_268, %get3A_269] {strides = array<i32>} : memref<512x64xf32, #tpu.memory_space<vmem>>, vector<1x16xf32>,
      %get3A_271 = vector.shape_cast %get3A_270 : vector<1x16xf32> to vector<16xf32>
      %max3A_272 = arith.maximumf %get3A_259, %get3A_263 : vector<16xf32>
      %max3A_273 = arith.maximumf %get3A_267, %get3A_271 : vector<16xf32>
      %max3A_274 = arith.maximumf %max3A_272, %max3A_273 : vector<16xf32>
      %broadcast_in_dim3A_275 = vector.shape_cast %xor3A_66 : vector<16xi32> to vector<16x1xi32>
      %gather3A_276 = vector.shape_cast %broadcast_in_dim3A_275 : vector<16x1xi32> to vector<16xi32>
      %gather3A_277 = tpu.dynamic_gather %max3A_274[%gather3A_276] in [0] : vector<16xf32>, vector<16xi32> -> vector<16xf32>
      %max3A_278 = arith.maximumf %max3A_274, %gather3A_277 : vector<16xf32>
      %broadcast_in_dim3A_279 = vector.shape_cast %xor3A_69 : vector<16xi32> to vector<16x1xi32>
      %gather3A_280 = vector.shape_cast %broadcast_in_dim3A_279 : vector<16x1xi32> to vector<16xi32>
      %gather3A_281 = tpu.dynamic_gather %max3A_278[%gather3A_280] in [0] : vector<16xf32>, vector<16xi32> -> vector<16xf32>
      %max3A_282 = arith.maximumf %max3A_278, %gather3A_281 : vector<16xf32>
      %broadcast_in_dim3A_283 = vector.shape_cast %xor3A_72 : vector<16xi32> to vector<16x1xi32>
      %gather3A_284 = vector.shape_cast %broadcast_in_dim3A_283 : vector<16x1xi32> to vector<16xi32>
      %gather3A_285 = tpu.dynamic_gather %max3A_282[%gather3A_284] in [0] : vector<16xf32>, vector<16xi32> -> vector<16xf32>
      %max3A_286 = arith.maximumf %max3A_282, %gather3A_285 : vector<16xf32>
      %broadcast_in_dim3A_287 = vector.shape_cast %xor3A_75 : vector<16xi32> to vector<16x1xi32>
      %gather3A_288 = vector.shape_cast %broadcast_in_dim3A_287 : vector<16x1xi32> to vector<16xi32>
      %gather3A_289 = tpu.dynamic_gather %max3A_286[%gather3A_288] in [0] : vector<16xf32>, vector<16xi32> -> vector<16xf32>
      %max3A_290 = arith.maximumf %max3A_286, %gather3A_289 : vector<16xf32>
      %sub3A_291 = arith.subf %get3A_259, %max3A_290 : vector<16xf32>
      %exp3A_292 = math.exp %sub3A_291 : vector<16xf32>
      %sub3A_293 = arith.subf %get3A_263, %max3A_290 : vector<16xf32>
      %exp3A_294 = math.exp %sub3A_293 : vector<16xf32>
      %sub3A_295 = arith.subf %get3A_267, %max3A_290 : vector<16xf32>
      %exp3A_296 = math.exp %sub3A_295 : vector<16xf32>
      %sub3A_297 = arith.subf %get3A_271, %max3A_290 : vector<16xf32>
      %exp3A_298 = math.exp %sub3A_297 : vector<16xf32>
      %add3A_299 = arith.addf %exp3A_292, %exp3A_294 : vector<16xf32>
      %add3A_300 = arith.addf %exp3A_296, %exp3A_298 : vector<16xf32>
      %add3A_301 = arith.addf %add3A_299, %add3A_300 : vector<16xf32>
      %broadcast_in_dim3A_302 = vector.shape_cast %xor3A_66 : vector<16xi32> to vector<16x1xi32>
      %gather3A_303 = vector.shape_cast %broadcast_in_dim3A_302 : vector<16x1xi32> to vector<16xi32>
      %gather3A_304 = tpu.dynamic_gather %add3A_301[%gather3A_303] in [0] : vector<16xf32>, vector<16xi32> -> vector<16xf32>
      %add3A_305 = arith.addf %add3A_301, %gather3A_304 : vector<16xf32>
      %broadcast_in_dim3A_306 = vector.shape_cast %xor3A_69 : vector<16xi32> to vector<16x1xi32>
      %gather3A_307 = vector.shape_cast %broadcast_in_dim3A_306 : vector<16x1xi32> to vector<16xi32>
      %gather3A_308 = tpu.dynamic_gather %add3A_305[%gather3A_307] in [0] : vector<16xf32>, vector<16xi32> -> vector<16xf32>
      %add3A_309 = arith.addf %add3A_305, %gather3A_308 : vector<16xf32>
      %broadcast_in_dim3A_310 = vector.shape_cast %xor3A_72 : vector<16xi32> to vector<16x1xi32>
      %gather3A_311 = vector.shape_cast %broadcast_in_dim3A_310 : vector<16x1xi32> to vector<16xi32>
      %gather3A_312 = tpu.dynamic_gather %add3A_309[%gather3A_311] in [0] : vector<16xf32>, vector<16xi32> -> vector<16xf32>
      %add3A_313 = arith.addf %add3A_309, %gather3A_312 : vector<16xf32>
      %broadcast_in_dim3A_314 = vector.shape_cast %xor3A_75 : vector<16xi32> to vector<16x1xi32>
      %gather3A_315 = vector.shape_cast %broadcast_in_dim3A_314 : vector<16x1xi32> to vector<16xi32>
      %gather3A_316 = tpu.dynamic_gather %add3A_313[%gather3A_315] in [0] : vector<16xf32>, vector<16xi32> -> vector<16xf32>
      %add3A_317 = arith.addf %add3A_313, %gather3A_316 : vector<16xf32>
      %div3A_318 = arith.constant 1.000000e+00 : f32
      %div3A_319 = vector.broadcast %div3A_318 : f32 to vector<16xf32>
      %div3A_320 = arith.divf %div3A_319, %add3A_317 : vector<16xf32>
      %mul3A_321 = arith.mulf %exp3A_292, %div3A_320 : vector<16xf32>
      %swap3A_322 = arith.index_cast %scan3A_255 : i32 to index
      %swap3A_323 = arith.constant 0 : index
      %swap3A_324 = tpu.vector_load %arg6[%swap3A_322, %swap3A_323] {strides = array<i32>} : memref<512x64xf32, #tpu.memory_space<vmem>>, vector<1x16xf32>,
      %swap3A_325 = vector.shape_cast %swap3A_324 : vector<1x16xf32> to vector<16xf32>
      %swap3A_326 = vector.shape_cast %mul3A_321 : vector<16xf32> to vector<1x16xf32>
      tpu.vector_store %arg6[%swap3A_322, %swap3A_323], %swap3A_326 {strides = array<i32>} : memref<512x64xf32, #tpu.memory_space<vmem>>, vector<1x16xf32>,
      %mul3A_327 = arith.mulf %exp3A_294, %div3A_320 : vector<16xf32>
      %swap3A_328 = arith.index_cast %scan3A_255 : i32 to index
      %swap3A_329 = arith.constant 16 : index
      %swap3A_330 = tpu.vector_load %arg6[%swap3A_328, %swap3A_329] {strides = array<i32>} : memref<512x64xf32, #tpu.memory_space<vmem>>, vector<1x16xf32>,
      %swap3A_331 = vector.shape_cast %swap3A_330 : vector<1x16xf32> to vector<16xf32>
      %swap3A_332 = vector.shape_cast %mul3A_327 : vector<16xf32> to vector<1x16xf32>
      tpu.vector_store %arg6[%swap3A_328, %swap3A_329], %swap3A_332 {strides = array<i32>} : memref<512x64xf32, #tpu.memory_space<vmem>>, vector<1x16xf32>,
      %mul3A_333 = arith.mulf %exp3A_296, %div3A_320 : vector<16xf32>
      %swap3A_334 = arith.index_cast %scan3A_255 : i32 to index
      %swap3A_335 = arith.constant 32 : index
      %swap3A_336 = tpu.vector_load %arg6[%swap3A_334, %swap3A_335] {strides = array<i32>} : memref<512x64xf32, #tpu.memory_space<vmem>>, vector<1x16xf32>,
      %swap3A_337 = vector.shape_cast %swap3A_336 : vector<1x16xf32> to vector<16xf32>
      %swap3A_338 = vector.shape_cast %mul3A_333 : vector<16xf32> to vector<1x16xf32>
      tpu.vector_store %arg6[%swap3A_334, %swap3A_335], %swap3A_338 {strides = array<i32>} : memref<512x64xf32, #tpu.memory_space<vmem>>, vector<1x16xf32>,
      %mul3A_339 = arith.mulf %exp3A_298, %div3A_320 : vector<16xf32>
      %swap3A_340 = arith.index_cast %scan3A_255 : i32 to index
      %swap3A_341 = arith.constant 48 : index
      %swap3A_342 = tpu.vector_load %arg6[%swap3A_340, %swap3A_341] {strides = array<i32>} : memref<512x64xf32, #tpu.memory_space<vmem>>, vector<1x16xf32>,
      %swap3A_343 = vector.shape_cast %swap3A_342 : vector<1x16xf32> to vector<16xf32>
      %swap3A_344 = vector.shape_cast %mul3A_339 : vector<16xf32> to vector<1x16xf32>
      tpu.vector_store %arg6[%swap3A_340, %swap3A_341], %swap3A_344 {strides = array<i32>} : memref<512x64xf32, #tpu.memory_space<vmem>>, vector<1x16xf32>,
      %scan3A_345 = arith.constant 3 : i32
      %scan3A_346 = arith.addi %scan3A_81, %scan3A_345 : i32
      %get3A_347 = arith.index_cast %scan3A_346 : i32 to index
      %get3A_348 = arith.constant 0 : index
      %get3A_349 = tpu.vector_load %arg6[%get3A_347, %get3A_348] {strides = array<i32>} : memref<512x64xf32, #tpu.memory_space<vmem>>, vector<1x16xf32>,
      %get3A_350 = vector.shape_cast %get3A_349 : vector<1x16xf32> to vector<16xf32>
      %get3A_351 = arith.index_cast %scan3A_346 : i32 to index
      %get3A_352 = arith.constant 16 : index
      %get3A_353 = tpu.vector_load %arg6[%get3A_351, %get3A_352] {strides = array<i32>} : memref<512x64xf32, #tpu.memory_space<vmem>>, vector<1x16xf32>,
      %get3A_354 = vector.shape_cast %get3A_353 : vector<1x16xf32> to vector<16xf32>
      %get3A_355 = arith.index_cast %scan3A_346 : i32 to index
      %get3A_356 = arith.constant 32 : index
      %get3A_357 = tpu.vector_load %arg6[%get3A_355, %get3A_356] {strides = array<i32>} : memref<512x64xf32, #tpu.memory_space<vmem>>, vector<1x16xf32>,
      %get3A_358 = vector.shape_cast %get3A_357 : vector<1x16xf32> to vector<16xf32>
      %get3A_359 = arith.index_cast %scan3A_346 : i32 to index
      %get3A_360 = arith.constant 48 : index
      %get3A_361 = tpu.vector_load %arg6[%get3A_359, %get3A_360] {strides = array<i32>} : memref<512x64xf32, #tpu.memory_space<vmem>>, vector<1x16xf32>,
      %get3A_362 = vector.shape_cast %get3A_361 : vector<1x16xf32> to vector<16xf32>
      %max3A_363 = arith.maximumf %get3A_350, %get3A_354 : vector<16xf32>
      %max3A_364 = arith.maximumf %get3A_358, %get3A_362 : vector<16xf32>
      %max3A_365 = arith.maximumf %max3A_363, %max3A_364 : vector<16xf32>
      %broadcast_in_dim3A_366 = vector.shape_cast %xor3A_66 : vector<16xi32> to vector<16x1xi32>
      %gather3A_367 = vector.shape_cast %broadcast_in_dim3A_366 : vector<16x1xi32> to vector<16xi32>
      %gather3A_368 = tpu.dynamic_gather %max3A_365[%gather3A_367] in [0] : vector<16xf32>, vector<16xi32> -> vector<16xf32>
      %max3A_369 = arith.maximumf %max3A_365, %gather3A_368 : vector<16xf32>
      %broadcast_in_dim3A_370 = vector.shape_cast %xor3A_69 : vector<16xi32> to vector<16x1xi32>
      %gather3A_371 = vector.shape_cast %broadcast_in_dim3A_370 : vector<16x1xi32> to vector<16xi32>
      %gather3A_372 = tpu.dynamic_gather %max3A_369[%gather3A_371] in [0] : vector<16xf32>, vector<16xi32> -> vector<16xf32>
      %max3A_373 = arith.maximumf %max3A_369, %gather3A_372 : vector<16xf32>
      %broadcast_in_dim3A_374 = vector.shape_cast %xor3A_72 : vector<16xi32> to vector<16x1xi32>
      %gather3A_375 = vector.shape_cast %broadcast_in_dim3A_374 : vector<16x1xi32> to vector<16xi32>
      %gather3A_376 = tpu.dynamic_gather %max3A_373[%gather3A_375] in [0] : vector<16xf32>, vector<16xi32> -> vector<16xf32>
      %max3A_377 = arith.maximumf %max3A_373, %gather3A_376 : vector<16xf32>
      %broadcast_in_dim3A_378 = vector.shape_cast %xor3A_75 : vector<16xi32> to vector<16x1xi32>
      %gather3A_379 = vector.shape_cast %broadcast_in_dim3A_378 : vector<16x1xi32> to vector<16xi32>
      %gather3A_380 = tpu.dynamic_gather %max3A_377[%gather3A_379] in [0] : vector<16xf32>, vector<16xi32> -> vector<16xf32>
      %max3A_381 = arith.maximumf %max3A_377, %gather3A_380 : vector<16xf32>
      %sub3A_382 = arith.subf %get3A_350, %max3A_381 : vector<16xf32>
      %exp3A_383 = math.exp %sub3A_382 : vector<16xf32>
      %sub3A_384 = arith.subf %get3A_354, %max3A_381 : vector<16xf32>
      %exp3A_385 = math.exp %sub3A_384 : vector<16xf32>
      %sub3A_386 = arith.subf %get3A_358, %max3A_381 : vector<16xf32>
      %exp3A_387 = math.exp %sub3A_386 : vector<16xf32>
      %sub3A_388 = arith.subf %get3A_362, %max3A_381 : vector<16xf32>
      %exp3A_389 = math.exp %sub3A_388 : vector<16xf32>
      %add3A_390 = arith.addf %exp3A_383, %exp3A_385 : vector<16xf32>
      %add3A_391 = arith.addf %exp3A_387, %exp3A_389 : vector<16xf32>
      %add3A_392 = arith.addf %add3A_390, %add3A_391 : vector<16xf32>
      %broadcast_in_dim3A_393 = vector.shape_cast %xor3A_66 : vector<16xi32> to vector<16x1xi32>
      %gather3A_394 = vector.shape_cast %broadcast_in_dim3A_393 : vector<16x1xi32> to vector<16xi32>
      %gather3A_395 = tpu.dynamic_gather %add3A_392[%gather3A_394] in [0] : vector<16xf32>, vector<16xi32> -> vector<16xf32>
      %add3A_396 = arith.addf %add3A_392, %gather3A_395 : vector<16xf32>
      %broadcast_in_dim3A_397 = vector.shape_cast %xor3A_69 : vector<16xi32> to vector<16x1xi32>
      %gather3A_398 = vector.shape_cast %broadcast_in_dim3A_397 : vector<16x1xi32> to vector<16xi32>
      %gather3A_399 = tpu.dynamic_gather %add3A_396[%gather3A_398] in [0] : vector<16xf32>, vector<16xi32> -> vector<16xf32>
      %add3A_400 = arith.addf %add3A_396, %gather3A_399 : vector<16xf32>
      %broadcast_in_dim3A_401 = vector.shape_cast %xor3A_72 : vector<16xi32> to vector<16x1xi32>
      %gather3A_402 = vector.shape_cast %broadcast_in_dim3A_401 : vector<16x1xi32> to vector<16xi32>
      %gather3A_403 = tpu.dynamic_gather %add3A_400[%gather3A_402] in [0] : vector<16xf32>, vector<16xi32> -> vector<16xf32>
      %add3A_404 = arith.addf %add3A_400, %gather3A_403 : vector<16xf32>
      %broadcast_in_dim3A_405 = vector.shape_cast %xor3A_75 : vector<16xi32> to vector<16x1xi32>
      %gather3A_406 = vector.shape_cast %broadcast_in_dim3A_405 : vector<16x1xi32> to vector<16xi32>
      %gather3A_407 = tpu.dynamic_gather %add3A_404[%gather3A_406] in [0] : vector<16xf32>, vector<16xi32> -> vector<16xf32>
      %add3A_408 = arith.addf %add3A_404, %gather3A_407 : vector<16xf32>
      %div3A_409 = arith.constant 1.000000e+00 : f32
      %div3A_410 = vector.broadcast %div3A_409 : f32 to vector<16xf32>
      %div3A_411 = arith.divf %div3A_410, %add3A_408 : vector<16xf32>
      %mul3A_412 = arith.mulf %exp3A_383, %div3A_411 : vector<16xf32>
      %swap3A_413 = arith.index_cast %scan3A_346 : i32 to index
      %swap3A_414 = arith.constant 0 : index
      %swap3A_415 = tpu.vector_load %arg6[%swap3A_413, %swap3A_414] {strides = array<i32>} : memref<512x64xf32, #tpu.memory_space<vmem>>, vector<1x16xf32>,
      %swap3A_416 = vector.shape_cast %swap3A_415 : vector<1x16xf32> to vector<16xf32>
      %swap3A_417 = vector.shape_cast %mul3A_412 : vector<16xf32> to vector<1x16xf32>
      tpu.vector_store %arg6[%swap3A_413, %swap3A_414], %swap3A_417 {strides = array<i32>} : memref<512x64xf32, #tpu.memory_space<vmem>>, vector<1x16xf32>,
      %mul3A_418 = arith.mulf %exp3A_385, %div3A_411 : vector<16xf32>
      %swap3A_419 = arith.index_cast %scan3A_346 : i32 to index
      %swap3A_420 = arith.constant 16 : index
      %swap3A_421 = tpu.vector_load %arg6[%swap3A_419, %swap3A_420] {strides = array<i32>} : memref<512x64xf32, #tpu.memory_space<vmem>>, vector<1x16xf32>,
      %swap3A_422 = vector.shape_cast %swap3A_421 : vector<1x16xf32> to vector<16xf32>
      %swap3A_423 = vector.shape_cast %mul3A_418 : vector<16xf32> to vector<1x16xf32>
      tpu.vector_store %arg6[%swap3A_419, %swap3A_420], %swap3A_423 {strides = array<i32>} : memref<512x64xf32, #tpu.memory_space<vmem>>, vector<1x16xf32>,
      %mul3A_424 = arith.mulf %exp3A_387, %div3A_411 : vector<16xf32>
      %swap3A_425 = arith.index_cast %scan3A_346 : i32 to index
      %swap3A_426 = arith.constant 32 : index
      %swap3A_427 = tpu.vector_load %arg6[%swap3A_425, %swap3A_426] {strides = array<i32>} : memref<512x64xf32, #tpu.memory_space<vmem>>, vector<1x16xf32>,
      %swap3A_428 = vector.shape_cast %swap3A_427 : vector<1x16xf32> to vector<16xf32>
      %swap3A_429 = vector.shape_cast %mul3A_424 : vector<16xf32> to vector<1x16xf32>
      tpu.vector_store %arg6[%swap3A_425, %swap3A_426], %swap3A_429 {strides = array<i32>} : memref<512x64xf32, #tpu.memory_space<vmem>>, vector<1x16xf32>,
      %mul3A_430 = arith.mulf %exp3A_389, %div3A_411 : vector<16xf32>
      %swap3A_431 = arith.index_cast %scan3A_346 : i32 to index
      %swap3A_432 = arith.constant 48 : index
      %swap3A_433 = tpu.vector_load %arg6[%swap3A_431, %swap3A_432] {strides = array<i32>} : memref<512x64xf32, #tpu.memory_space<vmem>>, vector<1x16xf32>,
      %swap3A_434 = vector.shape_cast %swap3A_433 : vector<1x16xf32> to vector<16xf32>
      %swap3A_435 = vector.shape_cast %mul3A_430 : vector<16xf32> to vector<1x16xf32>
      tpu.vector_store %arg6[%swap3A_431, %swap3A_432], %swap3A_435 {strides = array<i32>} : memref<512x64xf32, #tpu.memory_space<vmem>>, vector<1x16xf32>,
    }
    %scan3A_80 = arith.constant 512 : i32
    "tpu.region"() ({
      %run_scoped3A = tpu.sem_alloc : memref<!tpu.dma_semaphore, #tpu.memory_space<semaphore_mem>>
      %dma_start3A_81 = arith.constant 0 : i32
      %dma_start3A_82 = tpu.memref_slice %arg4[%mul3A_2, %dma_start3A_81] : memref<16384x64xf32, #tpu.memory_space<hbm>> -> memref<512x64xf32, #tpu.memory_space<hbm>>
      %dma_start3A_83 = arith.constant 0 : i32
      %dma_start3A_84 = tpu.memref_slice %arg4[%mul3A_2, %dma_start3A_83] : memref<16384x64xf32, #tpu.memory_space<hbm>> -> memref<512x64xf32, #tpu.memory_space<hbm>>
      tpu.enqueue_dma source(%arg6 : memref<512x64xf32, #tpu.memory_space<vmem>>) target(%dma_start3A_84 : memref<512x64xf32, #tpu.memory_space<hbm>>) target_semaphore(%run_scoped3A : memref<!tpu.dma_semaphore, #tpu.memory_space<semaphore_mem>>)
      %dma_wait3A_85 = arith.constant 0 : i32
      %dma_wait3A_86 = tpu.memref_slice %arg4[%mul3A_2, %dma_wait3A_85] : memref<16384x64xf32, #tpu.memory_space<hbm>> -> memref<512x64xf32, #tpu.memory_space<hbm>>
      %dma_wait3A_87 = arith.constant 0 : i32
      %dma_wait3A_88 = tpu.memref_slice %arg4[%mul3A_2, %dma_wait3A_87] : memref<16384x64xf32, #tpu.memory_space<hbm>> -> memref<512x64xf32, #tpu.memory_space<hbm>>
      tpu.wait_dma2 semaphore(%run_scoped3A : memref<!tpu.dma_semaphore, #tpu.memory_space<semaphore_mem>>) src(%arg6 : memref<512x64xf32, #tpu.memory_space<vmem>>) dst(%dma_wait3A_88 : memref<512x64xf32, #tpu.memory_space<hbm>>)
      tpu.yield
    }) : () -> ()
    return
  }
}

</mosaic_0001>

<sc_bundles>
// kernel: _policy.3.cloned.1.call-start
scs
__scs_entry_jumppad:
0x0: {  	(pc) =	sbr.rel $0x88, $3  }
0x1: {  	(tag) =	ssettag $0x0;
	lr =	simm.s32 $0x1  }
0x2: {  	[smem:$0x3F9F] =	sst lr;
	_ =	strace $0xD0000000  }
0x3: {  	_ = 	snop  }
0x4: {  	_ = 	snop  }
0x5: {  	_ = 	snop  }
0x6: {  	_ = 	snop  }
0x7: {  	_ = 	snop  }
__scs_overlays_trampoline_lowered:
0x8: {  	[smem:$0x3FAE] =	sst s0  }
0x9: {  	[smem:$0x3FAF] =	sst s1  }
0xa: {  	[smem:$0x3FB0] =	sst s2  }
0xb: {  	[smem:$0x3FB1] =	sst s3  }
0xc: {  	[smem:$0x3FB2] =	sst s4  }
0xd: {  	[smem:$0x3FB3] =	sst s5  }
0xe: {  	[smem:$0x3FB4] =	sst s6  }
0xf: {  	[smem:$0x3FB5] =	sst s7  }
0x10: {  	[smem:$0x3FB6] =	sst s8  }
0x11: {  	[smem:$0x3FB7] =	sst s9;
	s0 =	simm.s32 @!p0 $0x0  }
0x12: {  	s1 =	sld [smem:$0x3F9D];
	s0 =	simm.s32 @p0 $0x1  }
0x13: {  	[smem:$0x3FB8] =	sst s0;
	s0 =	simm.s32 @!p1 $0x0  }
0x14: {  	s2 =	sld [smem:$0x3F9C];
	s0 =	simm.s32 @p1 $0x1  }
0x15: {  	[smem:$0x3FB9] =	sst s0;
	s0 =	simm.s32 @!p2 $0x0  }
0x16: {  	s3 =	sld [smem:$0x3FDB];
	s0 =	simm.s32 @p2 $0x1  }
0x17: {  	s4 =	simm.s32 $0x1BF5;
	[smem:$0x3FBB] =	sst s0  }
0x18: {  	s0 =	sld [smem:$0x3F9E];
	_ =	swait.ge [sflag:s4], $0x0  }
0x19: {  	s7 =	sld [smem:$0x3F9F]  }
0x1a: {  	s8 =	sadd.s32 $0xFFFFE003, lr  }
0x1b: {  	s9 =	sadd.s32 $0xFFFFFEF7, lr;
	s5 =	simm.s32 $0xFFFFFFFF;
	p2 =	slt.u32 s8, $0xFFFFF086  }
0x1c: {  	p1 =	slt.u32 s9, $0xF7A;
	s5 =	simm.s32 @!p2 $0x0  }
0x1d: {  	s5 =	simm.s32 @p1 $0x1;
	p0 =	seq.s32 s7, s2  }
0x1e: {  	s7 =	smul.u32 @!p0 $0xF7A, s2;
	p2 =	seq.s32 @!p0 s5, $0x0  }
0x1f: {  	s9 =	smul.u32 $0xF7A, s1;
	s8 =	simm.s32 @!p0 $0x1BF5;
	p2 =	por !p2, p0  }
0x20: {  	[sflag:s8] =	ssyncset.s32 @!p0 $0xFFFFF086;
	s6 =	sadd.s32 @!p0 s3, s7;
	s7 =	simm.s32 @!p0 $0x108  }
0x21: {  	s3 =	sadd.s32 s3, s9;
	s6 =	sadd.s32 @!p0 $0x88, s6;
	s7 =	simm.s32 @p2 $0x1082  }
0x22: {  	[simem:s7], [sflag:s8] =	dma.local @!p0 [hbm:s6], $0xF7A  }
0x23: {  	s9 =	sor.u32 $0xD0000000, s2;
	s6 =	simm.s32 $0x108;
	_ =	swait.ge @!p0 [sflag:s8], $0x0  }
0x24: {  	s3 =	sadd.s32 $0x88, s3;
	s6 =	simm.s32 @!p1 $0x1082;
	[sflag:s4] =	ssyncset.s32 $0xFFFFF086  }
0x25: {  	[simem:s6], [sflag:s4] =	dma.local [hbm:s3], $0xF7A  }
0x26: {  	[smem:$0x3F9F] =	sst s1;
	(tag) =	ssettag s2;
	_ =	strace s9  }
0x27: {  	s1 =	sld [smem:$0x3FAF]  }
0x28: {  	s2 =	sld [smem:$0x3FB0]  }
0x29: {  	s4 =	sld [smem:$0x3FB2]  }
0x2a: {  	p0 =	seq.s32 s5, $0x0;
	s5 =	sld [smem:$0x3FB3]  }
0x2b: {  	s6 =	sld [smem:$0x3FB4]  }
0x2c: {  	s7 =	sld [smem:$0x3FB5]  }
0x2d: {  	s3 =	simm.s32 $0x108;
	s8 =	sld [smem:$0x3FB6]  }
0x2e: {  	s3 =	simm.s32 @!p0 $0x1082;
	s9 =	sld [smem:$0x3FB7]  }
0x2f: {  	lr =	sadd.s32 s0, s3;
	s0 =	sld [smem:$0x3FAE]  }
0x30: {  	s3 =	sld [smem:$0x3FB1]  }
0x31: {  	[smem:$0x3FBA] =	sst s10  }
0x32: {  	s10 =	sld [smem:$0x3FB8];
	_ =	sdelay $0x3  }
0x33: {  	p0 =	seq.s32 s10, $0x1;
	s10 =	sld [smem:$0x3FBA];
	_ =	sdelay $0x3  }
0x34: {  	[smem:$0x3FBA] =	sst s10  }
0x35: {  	s10 =	sld [smem:$0x3FB9];
	_ =	sdelay $0x3  }
0x36: {  	p1 =	seq.s32 s10, $0x1;
	s10 =	sld [smem:$0x3FBA];
	_ =	sdelay $0x3  }
0x37: {  	[smem:$0x3FBA] =	sst s10  }
0x38: {  	s10 =	sld [smem:$0x3FBB]  }
0x39: {  	_ = 	snop;
	(pc) =	sbr.ind lr, $3  }
0x3a: {  	_ = 	snop  }
0x3b: {  	_ = 	snop  }
0x3c: {  	p2 =	seq.s32 s10, $0x1;
	s10 =	sld [smem:$0x3FBA]  }
0x3d: {  	_ =	shalt  }
0x3e: {  	_ =	shalt  }
0x3f: {  	_ =	shalt  }
0x40: {  	_ =	shalt  }
0x41: {  	_ =	shalt  }
0x42: {  	_ =	shalt  }
0x43: {  	_ =	shalt  }
0x44: {  	_ =	shalt  }
0x45: {  	_ =	shalt  }
0x46: {  	_ =	shalt  }
0x47: {  	_ =	shalt  }
0x48: {  	_ =	shalt  }
0x49: {  	_ =	shalt  }
0x4a: {  	_ =	shalt  }
0x4b: {  	_ =	shalt  }
0x4c: {  	_ =	shalt  }
0x4d: {  	_ =	shalt  }
0x4e: {  	_ =	shalt  }
0x4f: {  	_ =	shalt  }
0x50: {  	_ =	shalt  }
0x51: {  	_ =	shalt  }
0x52: {  	_ =	shalt  }
0x53: {  	_ =	shalt  }
0x54: {  	_ =	shalt  }
0x55: {  	_ =	shalt  }
0x56: {  	_ =	shalt  }
0x57: {  	_ =	shalt  }
0x58: {  	_ =	shalt  }
0x59: {  	_ =	shalt  }
0x5a: {  	_ =	shalt  }
0x5b: {  	_ =	shalt  }
0x5c: {  	_ =	shalt  }
0x5d: {  	_ =	shalt  }
0x5e: {  	_ =	shalt  }
0x5f: {  	_ =	shalt  }
0x60: {  	_ =	shalt  }
0x61: {  	_ =	shalt  }
0x62: {  	_ =	shalt  }
0x63: {  	_ =	shalt  }
0x64: {  	_ =	shalt  }
0x65: {  	_ =	shalt  }
0x66: {  	_ =	shalt  }
0x67: {  	_ =	shalt  }
0x68: {  	_ =	shalt  }
0x69: {  	_ =	shalt  }
0x6a: {  	_ =	shalt  }
0x6b: {  	_ =	shalt  }
0x6c: {  	_ =	shalt  }
0x6d: {  	_ =	shalt  }
0x6e: {  	_ =	shalt  }
0x6f: {  	_ =	shalt  }
0x70: {  	_ =	shalt  }
0x71: {  	_ =	shalt  }
0x72: {  	_ =	shalt  }
0x73: {  	_ =	shalt  }
0x74: {  	_ =	shalt  }
0x75: {  	_ =	shalt  }
0x76: {  	_ =	shalt  }
0x77: {  	_ =	shalt  }
0x78: {  	_ =	shalt  }
0x79: {  	_ =	shalt  }
0x7a: {  	_ =	shalt  }
0x7b: {  	_ =	shalt  }
0x7c: {  	_ =	shalt  }
0x7d: {  	_ =	shalt  }
0x7e: {  	_ =	shalt  }
0x7f: {  	_ =	shalt  }
0x80: {  	_ =	shalt  }
0x81: {  	_ =	shalt  }
0x82: {  	_ =	shalt  }
0x83: {  	_ =	shalt  }
0x84: {  	_ =	shalt  }
0x85: {  	_ =	shalt  }
0x86: {  	_ =	shalt  }
0x87: {  	_ =	shalt  }
.Lfunc_end0:
.L_simem_size_0:
called_computation_lowered:
.L_overlay_start_0:
0x88: {  	s2 =	sld [smem:$0x3FD9]  }
0x89: {  	s3 =	sld [smem:$0x3FFE];
	_ =	sdelay $0x1  }
0x8a: {  	s1 =	srdreg.scid  }
0x8b: {  	s0 =	sand.u32 $0x1, s1  }
0x8c: {  	s17 =	sshll.u32 s0, $0xA;
	s2 =	sadd.s32 s3, s2  }
0x8d: {  	s2 =	sadd.s32 s2, s17  }
0x8e: {  	[smem:$0x3FC6] =	sst s2  }
0x8f: {  	_ = 	snop  }
0x90: {  	s2 =	sld [smem:$0x3FC9]  }
0x91: {  	s18 =	sld [smem:$0x3FD0];
	(tm) =	ssettm $0x1  }
0x92: {  	s4 =	sld [smem:$0x3FFB];
	_ =	sdelay $0x3  }
0x93: {  	_ =	strace s4  }
0x94: {  	s4 =	sld [smem:$0x3FFC];
	_ =	sdelay $0x3  }
0x95: {  	_ =	strace s4  }
0x96: {  	s4 =	sld [smem:$0x3FFD];
	_ =	sdelay $0x3  }
0x97: {  	_ =	strace s4  }
0x98: {  	_ =	strace $0x8FFFFFFF  }
0x99: {  	s19 =	sld [smem:$0x3FDB];
	_ =	sdelay $0x1  }
0x9a: {  	s5 =	simm.s32 $_scs_section_size  }
0x9b: {  	s6 =	simm.s32 $_size__tile_overlayer_lowered;
	s7 =	simm.s32 $_tile_overlayer_lowered  }
0x9c: {  	s22 =	simm.s32 $0x1BFF;
	s21 =	sshll.u32 s7, $0x1;
	s4 =	sadd.s32 s5, s19  }
0x9d: {  	s8 =	simm.s32 $0x0;
	s20 =	sshll.u32 s6, $0x1;
	s6 =	sadd.s32 s21, s4  }
0x9e: {  	[timem:s8], [sflag:s22] =	dma.local [hbm:s6], s20  }
0x9f: {  	_ =	swait.ge [sflag:s22], s20  }
0xa0: {  	s5 =	ssub.s32 $0x0, s20;
	[sflag:s22] =	ssyncset.done $0x0  }
0xa1: {  	[sflag:s22] =	ssyncadd.s32 s5;
	_ =	sdelay $0x1  }
0xa2: {  	s23 =	simm.s32 $0x1B8B  }
0xa3: {  	_ =	swait.ge [sflag:s23], $0x1  }
0xa4: {  	[sflag:s23] =	ssyncset.done $0x0  }
0xa5: {  	s25 =	simm.s32 $0x1B8E;
	s24 =	sld [smem:$0x3FFE];
	[sflag:s23] =	ssyncadd.s32 $0xFFFFFFFF  }
0xa6: {  	s26 =	simm.s32 $execute0_lowered;
	[smem:$0x3FD2] =	sst s25  }
0xa7: {  	s6 =	sshll.u32 s26, $0x1;
	_ =	strace $0x80000046;
	[dreg:$0x1] =	wrdreg $0xFFFFFFFF  }
0xa8: {  	s28 =	simm.s32 $_size_execute0_lowered;
	s4 =	sadd.s32 s4, s6;
	[dreg:$0x0] =	wrdreg $0x0  }
0xa9: {  	s6 =	sshll.u32 s28, $0x1;
	[dreg:$0x2] =	wrdreg s4  }
0xaa: {  	[dreg:$0x3] =	wrdreg s6  }
0xab: {  	[dreg:$0x4] =	wrdreg $0xC0  }
0xac: {  	_ =	task [dreg:s8], $0x5FFFF  }
0xad: {  	[dreg:$0x1] =	wrdreg $0xFFFFFFFF  }
0xae: {  	[dreg:$0x0] =	wrdreg $0x60  }
0xaf: {  	[dreg:$0x2] =	wrdreg s24  }
0xb0: {  	[dreg:$0x3] =	wrdreg s2  }
0xb1: {  	[dreg:$0x4] =	wrdreg s18  }
0xb2: {  	[dreg:$0x5] =	wrdreg $0x9  }
0xb3: {  	_ =	task.clear_ibuf [dreg:s8], $0x6FFFF;
	_ =	strace $0x90000046  }
0xb4: {  	s29 =	simm.s32 $0x9;
	_ =	strace $0x80000048  }
0xb5: {  	_ =	swait.ge [sflag:s29], $0x1  }
0xb6: {  	[sflag:s29] =	ssyncadd.s32 $0xFFFFFFFF  }
0xb7: {  	_ =	strace $0x90000048  }
0xb8: {  	_ =	sfence  }
0xb9: {  	s30 =	sld [smem:$0x0];
	_ =	sdelay $0x2  }
0xba: {  	s31 =	sshll.u32 s1, $0xD;
	s1 =	sshrl.u32 s1, $0x2  }
0xbb: {  	s3 =	sand.u32 $0x4000, s31;
	s1 =	sadd.s32 s1, s30  }
0xbc: {  	s0 =	sor.u32 s3, s0;
	s1 =	sshll.u32 s1, $0x11  }
0xbd: {  	s0 =	sor.u32 s1, s0  }
0xbe: {  	s0 =	sadd.s32 $0x8F2B, s0  }
0xbf: {  	[sflag:s0] =	ssyncadd.remote.s32 $0x1  }
0xc0: {  	_ =	sfence.sel $0xFFFF  }
0xc1: {  	[dreg:$0x0] =	wrdreg $0xFFFFFFFF;
	(pc) =	sbr.abs _section_cstart, $3  }
0xc2: {  	[dreg:$0x1] =	wrdreg $0xFFFFFFFF  }
0xc3: {  	_ =	task.clear_ibuf [dreg:s8], $0x2FFFF;
	_ =	strace $0x9FFFFFFF  }
0xc4: {  	(tm) =	ssettm $0x7FFFFFFF  }
0xc5: {  	_ =	shalt  }
tec
execute0_lowered:
.L_overlay_start_1:
0x0: {  	(tag) =	ssettag $0x1  }
0x1: {  	v0 =	vimm.s32 $0xEFCDAB89;
	s3 =	rddreg [dreg:$0x0]  }
0x2: {  	v1 =	vimm.s32 $0x67452301;
	v2 =	vimm.s32 $0xDCFE98BA;
	s4 =	rddreg [dreg:$0x1];
	v3 =	vimm.s32 $0x54761032  }
0x3: {  	s5 =	rddreg [dreg:$0x2];
	s1 =	simm.s32 $0x0;
	s2 =	srdreg.scid;
	v4 =	vimm.s32 $0xBA98FEDC;
	v5 =	vimm.s32 $0x32107654;
	v6 =	vimm.s32 $0xFEDCBA98  }
0x4: {  	s0 =	stileid.u32;
	v7 =	vimm.s32 $0x76543210;
	s10 =	simm.s32 $0x2200;
	s11 =	simm.s32 $0x100;
	v0 =	vunpack.c.l.s4.s8 v0;
	v1 =	vunpack.c.l.s4.s8 v1  }
0x5: {  	s12 =	simm.s32 $0x4200;
	s13 =	simm.s32 $0x180;
	s14 =	simm.s32 $0x6200;
	v2 =	vunpack.c.l.s4.s8 v2;
	v3 =	vunpack.c.l.s4.s8 v3;
	v4 =	vunpack.c.l.s4.s8 v4  }
0x6: {  	s15 =	simm.s32 $0x1;
	s16 =	simm.s32 $0x0;
	[smem:$0x7FF] =	sst s1;
	v5 =	vunpack.c.l.s4.s8 v5;
	v6 =	vunpack.c.l.s4.s8 v6;
	v7 =	vunpack.c.l.s4.s8 v7  }
0x7: {  	s6 =	sand.u32 $0x1, s2;
	s2 =	rddreg [dreg:$0x3];
	s7 =	sshll.u32 s0, $0xA;
	v0 =	vunpack.c.0.s8.s32 v0;
	v1 =	vunpack.c.0.s8.s32 v1;
	v2 =	vunpack.c.0.s8.s32 v2  }
0x8: {  	s3 =	sadd.s32 $0xF42800, s3;
	s8 =	sshll.u32 s6, $0x9;
	s6 =	ssub.s32 $0x2, s6;
	v3 =	vunpack.c.0.s8.s32 v3;
	v4 =	vunpack.c.0.s8.s32 v4;
	v5 =	vunpack.c.0.s8.s32 v5  }
0x9: {  	_ =	strace $0x80000047;
	s7 =	sor.u32 s8, s7;
	s31 =	sshrl.u32 s6, $0x1;
	v0 =	vcombine.low v1, v0;
	v1 =	vunpack.c.0.s8.s32 v6  }
0xa: {  	s8 =	simm.s32 $0x80;
	s9 =	sshrl.u32 s7, $0x3;
	s7 =	sshll.u32 s7, $0x3;
	v2 =	vcombine.low v3, v2;
	v3 =	vcombine.low v5, v4;
	v4 =	vunpack.c.0.s8.s32 v7  }
0xb: {  	s6 =	ssub.s32 s6, s31;
	s4 =	sadd.s32 s4, s9;
	s5 =	sadd.s32 s5, s7;
	v0 =	vand.u32 $0xF, v0;
	v5 =	vand.u32 $0xF, v1  }
0xc: {  	s6 =	smax.u32 s6, $0x1;
	s7 =	simm.s32 $0x2;
	s9 =	simm.s32 $0x200;
	v1 =	vand.u32 $0xF, v2;
	v2 =	vand.u32 $0xF, v3;
	v3 =	vcombine.low v5, v4  }
.LBB2_1:
0xd: {  	[tilespmem:s1], [sflag:$0x2] =	stream.linear.gather [hbm4b:s4+s1], $0x200, $0x38;
	[tilespmem:$0x8200] =	vst v63  }
0xe: {  	_ =	swait.ge [sflag:s7], $0x200  }
0xf: {  	[sflag:s7] =	ssyncset.done $0x0  }
0x10: {  	[sflag:s7] =	ssyncadd.s32 $0xFFFFFE00  }
0x11: {  	[tilespmem:s9], [sflag:$0x1] =	stream.indirect.gather [hbm4b:s3+s8], $0x40, s1, s8, $0xb8;
	[tilespmem:$0x8200] =	vst v63  }
0x12: {  	_ = 	snop  }
0x13: {  	[tilespmem:s10], [sflag:$0x1] =	stream.indirect.gather [hbm4b:s3+s8], $0x40, s8, s8, $0xb8;
	[tilespmem:$0x8200] =	vst v63  }
0x14: {  	_ = 	snop  }
0x15: {  	[tilespmem:s12], [sflag:$0x1] =	stream.indirect.gather [hbm4b:s3+s8], $0x40, s11, s8, $0xb8;
	[tilespmem:$0x8200] =	vst v63  }
0x16: {  	_ = 	snop  }
0x17: {  	[tilespmem:s14], [sflag:$0x1] =	stream.indirect.gather [hbm4b:s3+s8], $0x40, s13, s8, $0xb8;
	[tilespmem:$0x8200] =	vst v63  }
0x18: {  	_ =	swait.ge [sflag:s15], $0x2000  }
0x19: {  	[sflag:s15] =	ssyncset.done $0x0  }
0x1a: {  	[sflag:s15] =	ssyncadd.s32 $0xFFFFE000  }
0x1b: {  	_ =	swait.ge [sflag:s15], $0x2000  }
0x1c: {  	[sflag:s15] =	ssyncset.done $0x0  }
0x1d: {  	[sflag:s15] =	ssyncadd.s32 $0xFFFFE000  }
0x1e: {  	_ =	swait.ge [sflag:s15], $0x2000  }
0x1f: {  	[sflag:s15] =	ssyncset.done $0x0  }
0x20: {  	[sflag:s15] =	ssyncadd.s32 $0xFFFFE000  }
0x21: {  	_ =	swait.ge [sflag:s15], $0x2000  }
0x22: {  	[sflag:s15] =	ssyncset.done $0x0  }
0x23: {  	s17 =	simm.s32 $0x280;
	[sflag:s15] =	ssyncadd.s32 $0xFFFFE000  }
0x24: {  	v4 =	vld [tilespmem:s17+$0x70]  }
0x25: {  	v5 =	vld [tilespmem:s17+$0x60]  }
0x26: {  	v6 =	vld [tilespmem:s17+$0x50]  }
0x27: {  	v7 =	vld [tilespmem:s17+$0x40]  }
0x28: {  	v8 =	vld [tilespmem:s17+$0x0]  }
0x29: {  	v9 =	vld [tilespmem:s17+$0x30]  }
0x2a: {  	v10 =	vld [tilespmem:s17+$0x20]  }
0x2b: {  	v11 =	vld [tilespmem:s17+$0x10]  }
0x2c: {  	v12 =	vmax.f32 v5, v4;
	v13 =	vmax.f32 v7, v6  }
0x2d: {  	v12 =	vmax.f32 v13, v12  }
0x2e: {  	v13 =	vperm.xlane v12, v0  }
0x2f: {  	v16 =	vld [tilespmem:s17+$0xFFFFFF90]  }
0x30: {  	v18 =	vld [tilespmem:s17+$0xFFFFFF80];
	v14 =	vmax.f32 v8, v11;
	v12 =	vmax.f32 v12, v13;
	v13 =	vmax.f32 v10, v9  }
0x31: {  	v21 =	vld [tilespmem:s17+$0xFFFFFFC0];
	v15 =	vperm.xlane v12, v1;
	v13 =	vmax.f32 v14, v13  }
0x32: {  	v14 =	vld [tilespmem:s17+$0xFFFFFFA0];
	v17 =	vperm.xlane v13, v0  }
0x33: {  	v12 =	vmax.f32 v12, v15;
	v15 =	vld [tilespmem:s17+$0xFFFFFFB0]  }
0x34: {  	v23 =	vld [tilespmem:s17+$0xFFFFFFD0];
	v19 =	vperm.xlane v12, v2;
	v13 =	vmax.f32 v13, v17  }
0x35: {  	v17 =	vperm.xlane v13, v1  }
0x36: {  	v20 =	vld [tilespmem:s17+$0xFFFFFFF0];
	v12 =	vmax.f32 v12, v19  }
0x37: {  	v19 =	vld [tilespmem:s17+$0xFFFFFFE0];
	v22 =	vperm.xlane v12, v3;
	v13 =	vmax.f32 v13, v17  }
0x38: {  	v24 =	vmax.f32 v18, v16;
	v17 =	vmax.f32 v14, v15;
	v25 =	vperm.xlane v13, v2  }
0x39: {  	v61 =	vmax.f32 v21, v23;
	v12 =	vmax.f32 v12, v22;
	v17 =	vmax.f32 v24, v17  }
0x3a: {  	v7 =	vsub.f32 v7, v12;
	v6 =	vsub.f32 v6, v12;
	v13 =	vmax.f32 v13, v25  }
0x3b: {  	v5 =	vsub.f32 v5, v12;
	v4 =	vsub.f32 v4, v12;
	v22 =	vperm.xlane v13, v3  }
0x3c: {  	v12 =	vmax.f32 v19, v20;
	v7 =	vmul.f32 $1.442695020e+00, v7;
	v6 =	vmul.f32 $1.442695020e+00, v6  }
0x3d: {  	v5 =	vmul.f32 $1.442695020e+00, v5;
	v4 =	vmul.f32 $1.442695020e+00, v4;
	v13 =	vmax.f32 v13, v22  }
0x3e: {  	(erf) = vpow2.f32 v7;
	v7 =	vsub.f32 v8, v13;
	v8 =	vsub.f32 v11, v13  }
0x3f: {  	v10 =	vsub.f32 v10, v13;
	(erf) = vpow2.f32 v5;
	v5 =	vperm.xlane v17, v0  }
0x40: {  	(erf) = vpow2.f32 v4;
	v4 =	vmul.f32 $1.442695020e+00, v8;
	v8 =	vsub.f32 v9, v13  }
0x41: {  	(erf) = vpow2.f32 v6;
	v5 =	vmax.f32 v17, v5;
	v6 =	vmul.f32 $1.442695020e+00, v7  }
0x42: {  	v7 =	vmul.f32 $1.442695020e+00, v10;
	v10 =	vmax.f32 v61, v12;
	v9 =	vperm.xlane v5, v1  }
0x43: {  	v11 =	vperm.xlane v10, v0  }
0x44: {  	(erf) = vpow2.f32 v6;
	v6 =	vmul.f32 $1.442695020e+00, v8;
	v5 =	vmax.f32 v5, v9  }
0x45: {  	(erf) = vpow2.f32 v7;
	v8 =	vmax.f32 v10, v11;
	v7 =	vperm.xlane v5, v2  }
0x46: {  	(erf) = vpow2.f32 v4;
	v4 =	vperm.xlane v8, v1  }
0x47: {  	(erf) = vpow2.f32 v6;
	v17 =	vpop (erf);
	v5 =	vmax.f32 v5, v7  }
0x48: {  	v4 =	vmax.f32 v8, v4;
	v13 =	vpop (erf);
	v6 =	vperm.xlane v5, v3  }
0x49: {  	v7 =	vperm.xlane v4, v2;
	v22 =	vpop (erf)  }
0x4a: {  	v8 =	vadd.f32 v22, v13;
	v62 =	vpop (erf);
	v5 =	vmax.f32 v5, v6  }
0x4b: {  	v7 =	vmax.f32 v4, v7;
	v6 =	vadd.f32 v62, v17;
	v9 =	vsub.f32 v18, v5  }
0x4c: {  	v10 =	vsub.f32 v16, v5;
	v11 =	vsub.f32 v14, v5;
	v12 =	vperm.xlane v7, v3  }
0x4d: {  	v5 =	vsub.f32 v15, v5;
	v16 =	vpop (erf);
	v6 =	vadd.f32 v8, v6;
	v8 =	vmul.f32 $1.442695020e+00, v9  }
0x4e: {  	v4 =	vpop (erf);
	v9 =	vmul.f32 $1.442695020e+00, v10;
	v10 =	vmul.f32 $1.442695020e+00, v11;
	v7 =	vmax.f32 v7, v12  }
0x4f: {  	v5 =	vmul.f32 $1.442695020e+00, v5;
	v63 =	vpop (erf);
	v12 =	vsub.f32 v20, v7;
	v11 =	vperm.xlane v6, v0  }
0x50: {  	v26 =	vpop (erf);
	v14 =	vadd.f32 v63, v16;
	(erf) = vpow2.f32 v10;
	v10 =	vsub.f32 v21, v7  }
0x51: {  	v15 =	vadd.f32 v26, v4;
	v12 =	vmul.f32 $1.442695020e+00, v12;
	(erf) = vpow2.f32 v8  }
0x52: {  	v8 =	vsub.f32 v19, v7;
	(erf) = vpow2.f32 v5;
	v6 =	vadd.f32 v6, v11  }
0x53: {  	v5 =	vmul.f32 $1.442695020e+00, v10;
	v14 =	vadd.f32 v15, v14;
	(erf) = vpow2.f32 v9  }
0x54: {  	v7 =	vsub.f32 v23, v7;
	v8 =	vmul.f32 $1.442695020e+00, v8;
	v10 =	vperm.xlane v6, v1  }
0x55: {  	(erf) = vpow2.f32 v12;
	v9 =	vperm.xlane v14, v0  }
0x56: {  	v7 =	vmul.f32 $1.442695020e+00, v7;
	(erf) = vpow2.f32 v8  }
0x57: {  	v6 =	vadd.f32 v6, v10;
	(erf) = vpow2.f32 v5;
	v9 =	vadd.f32 v14, v9  }
0x58: {  	(erf) = vpow2.f32 v7  }
0x59: {  	v10 =	vperm.xlane v6, v2;
	v7 =	vperm.xlane v9, v1;
	_ =	sdelay $0x1  }
0x5a: {  	v8 =	vpop (erf);
	v7 =	vadd.f32 v9, v7  }
0x5b: {  	v5 =	vpop (erf);
	v9 =	vadd.f32 v6, v10  }
0x5c: {  	v10 =	vpop (erf);
	v11 =	vperm.xlane v7, v2  }
0x5d: {  	v12 =	vpop (erf);
	v14 =	vperm.xlane v9, v3  }
0x5e: {  	v15 =	vadd.f32 v10, v8;
	v18 =	vadd.f32 v12, v5;
	v6 =	vpop (erf)  }
0x5f: {  	v19 =	vadd.f32 v7, v11;
	v14 =	vadd.f32 v9, v14;
	v7 =	vpop (erf)  }
0x60: {  	v15 =	vadd.f32 v15, v18;
	v11 =	vpop (erf)  }
0x61: {  	v18 =	vperm.xlane v19, v3;
	(erf) = vrcp.f32 v14;
	v9 =	vpop (erf)  }
0x62: {  	v14 =	vadd.f32 v6, v7;
	v21 =	vperm.xlane v15, v0;
	v20 =	vadd.f32 v9, v11  }
0x63: {  	v18 =	vadd.f32 v19, v18  }
0x64: {  	v15 =	vadd.f32 v15, v21;
	v14 =	vadd.f32 v14, v20  }
0x65: {  	(erf) = vrcp.f32 v18  }
0x66: {  	v19 =	vperm.xlane v15, v1;
	v18 =	vperm.xlane v14, v0;
	_ =	sdelay $0x1  }
0x67: {  	v14 =	vadd.f32 v14, v18  }
0x68: {  	v15 =	vadd.f32 v15, v19  }
0x69: {  	v19 =	vpop (erf);
	v18 =	vperm.xlane v14, v1  }
0x6a: {  	v20 =	vperm.xlane v15, v2;
	v21 =	vmul.f32 v19, v22  }
0x6b: {  	v22 =	vmul.f32 v19, v13;
	v13 =	vadd.f32 v14, v18  }
0x6c: {  	v23 =	vmul.f32 v19, v62;
	v14 =	vadd.f32 v15, v20;
	[tilespmem:s17+$0x70] =	vst v21  }
0x6d: {  	v21 =	vmul.f32 v19, v17;
	[tilespmem:s17+$0x60] =	vst v22;
	v15 =	vpop (erf);
	v17 =	vperm.xlane v13, v2  }
0x6e: {  	[tilespmem:s17+$0x50] =	vst v23;
	v20 =	vperm.xlane v14, v3;
	v18 =	vmul.f32 v15, v16  }
0x6f: {  	s18 =	simm.s32 $0x0;
	s19 =	simm.s32 $0x380;
	v16 =	vmul.f32 v15, v63;
	v19 =	vmul.f32 v15, v26;
	[tilespmem:s17+$0x40] =	vst v21  }
.LBB2_2:
0x70: {  	v21 =	vld [tilespmem:s19+$0x70];
	s18 =	sadd.s32 $0x4, s18;
	v14 =	vadd.f32 v14, v20;
	v13 =	vadd.f32 v13, v17;
	[tilespmem:s17+$0x0] =	vst v18;
	v4 =	vmul.f32 v15, v4  }
0x71: {  	v15 =	vld [tilespmem:s19+$0x0];
	p0 =	slt.u32 s18, $0x1FC;
	[tilespmem:s17+$0x30] =	vst v19  }
0x72: {  	v17 =	vld [tilespmem:s19+$0x60];
	v18 =	vperm.xlane v13, v3;
	[tilespmem:s17+$0x10] =	vst v16;
	(erf) = vrcp.f32 v14  }
0x73: {  	v14 =	vld [tilespmem:s19+$0x50]  }
0x74: {  	v16 =	vld [tilespmem:s19+$0x40];
	v13 =	vadd.f32 v13, v18  }
0x75: {  	v18 =	vld [tilespmem:s19+$0x30];
	[tilespmem:s17+$0x20] =	vst v4  }
0x76: {  	v4 =	vld [tilespmem:s19+$0x20];
	(erf) = vrcp.f32 v13  }
0x77: {  	v19 =	vld [tilespmem:s19+$0x10];
	v20 =	vmax.f32 v17, v21  }
0x78: {  	v13 =	vld [tilespmem:s19+$0xFFFFFFF0]  }
0x79: {  	v22 =	vmax.f32 v16, v14  }
0x7a: {  	v20 =	vmax.f32 v22, v20  }
0x7b: {  	v22 =	vmax.f32 v4, v18;
	v23 =	vperm.xlane v20, v0;
	v24 =	vpop (erf)  }
0x7c: {  	v25 =	vmax.f32 v15, v19;
	v12 =	vmul.f32 v24, v12;
	v26 =	vmul.f32 v24, v8  }
0x7d: {  	v10 =	vmul.f32 v24, v10;
	v22 =	vmax.f32 v25, v22;
	v20 =	vmax.f32 v20, v23  }
0x7e: {  	v23 =	vperm.xlane v22, v0;
	v25 =	vperm.xlane v20, v1;
	[tilespmem:s17+$0xFFFFFF90] =	vst v12  }
0x7f: {  	v5 =	vmul.f32 v24, v5;
	v12 =	vld [tilespmem:s19+$0xFFFFFF90];
	[tilespmem:s17+$0xFFFFFFA0] =	vst v26;
	v8 =	vpop (erf)  }
0x80: {  	v24 =	vld [tilespmem:s19+$0xFFFFFFA0];
	v22 =	vmax.f32 v22, v23;
	v20 =	vmax.f32 v20, v25;
	[tilespmem:s17+$0xFFFFFFB0] =	vst v10;
	v10 =	vmul.f32 v8, v11  }
0x81: {  	v11 =	vld [tilespmem:s19+$0xFFFFFFB0];
	v23 =	vperm.xlane v22, v1;
	[tilespmem:s17+$0xFFFFFF80] =	vst v5;
	v5 =	vmul.f32 v8, v6  }
0x82: {  	v7 =	vmul.f32 v8, v7;
	v25 =	vperm.xlane v20, v2;
	v6 =	vld [tilespmem:s19+$0xFFFFFF80];
	[tilespmem:s17+$0xFFFFFFC0] =	vst v10  }
0x83: {  	v8 =	vmul.f32 v8, v9;
	[tilespmem:s17+$0xFFFFFFF0] =	vst v5  }
0x84: {  	v9 =	vmax.f32 v20, v25;
	v5 =	vld [tilespmem:s19+$0xFFFFFFC0];
	[tilespmem:s17+$0xFFFFFFE0] =	vst v7  }
0x85: {  	v10 =	vmax.f32 v22, v23;
	v20 =	vperm.xlane v9, v3;
	v7 =	vld [tilespmem:s19+$0xFFFFFFE0];
	[tilespmem:s17+$0xFFFFFFD0] =	vst v8;
	s17 =	smov.u32 s19  }
0x86: {  	v8 =	vmax.f32 v24, v11;
	v22 =	vld [tilespmem:s19+$0xFFFFFFD0]  }
0x87: {  	v25 =	vperm.xlane v10, v2;
	v9 =	vmax.f32 v9, v20;
	v23 =	vmax.f32 v6, v12  }
0x88: {  	v16 =	vsub.f32 v16, v9;
	v14 =	vsub.f32 v14, v9;
	v8 =	vmax.f32 v23, v8  }
0x89: {  	v10 =	vmax.f32 v10, v25;
	v17 =	vsub.f32 v17, v9;
	v9 =	vsub.f32 v21, v9  }
0x8a: {  	v21 =	vperm.xlane v10, v3;
	v16 =	vmul.f32 $1.442695020e+00, v16;
	v20 =	vmax.f32 v7, v13  }
0x8b: {  	v14 =	vmul.f32 $1.442695020e+00, v14;
	v17 =	vmul.f32 $1.442695020e+00, v17;
	v23 =	vmax.f32 v5, v22  }
0x8c: {  	v10 =	vmax.f32 v10, v21;
	v9 =	vmul.f32 $1.442695020e+00, v9;
	(erf) = vpow2.f32 v16  }
0x8d: {  	v15 =	vsub.f32 v15, v10;
	v16 =	vsub.f32 v19, v10;
	(erf) = vpow2.f32 v17  }
0x8e: {  	v4 =	vsub.f32 v4, v10;
	v17 =	vperm.xlane v8, v0;
	(erf) = vpow2.f32 v9  }
0x8f: {  	v10 =	vsub.f32 v18, v10;
	v9 =	vmul.f32 $1.442695020e+00, v16;
	(erf) = vpow2.f32 v14  }
0x90: {  	v4 =	vmul.f32 $1.442695020e+00, v4;
	v8 =	vmax.f32 v8, v17;
	v14 =	vmul.f32 $1.442695020e+00, v15  }
0x91: {  	v16 =	vmax.f32 v23, v20;
	v10 =	vmul.f32 $1.442695020e+00, v10;
	v15 =	vperm.xlane v8, v1  }
0x92: {  	v17 =	vperm.xlane v16, v0;
	(erf) = vpow2.f32 v14  }
0x93: {  	v8 =	vmax.f32 v8, v15;
	(erf) = vpow2.f32 v4  }
0x94: {  	v14 =	vmax.f32 v16, v17;
	v4 =	vperm.xlane v8, v2;
	(erf) = vpow2.f32 v9  }
0x95: {  	v9 =	vperm.xlane v14, v1;
	(erf) = vpow2.f32 v10;
	v15 =	vpop (erf)  }
0x96: {  	v4 =	vmax.f32 v8, v4;
	v16 =	vpop (erf)  }
0x97: {  	v8 =	vperm.xlane v4, v3;
	v9 =	vmax.f32 v14, v9;
	v14 =	vpop (erf)  }
0x98: {  	v10 =	vperm.xlane v9, v2;
	v17 =	vadd.f32 v14, v16;
	v18 =	vpop (erf)  }
0x99: {  	v4 =	vmax.f32 v4, v8;
	v8 =	vadd.f32 v18, v15  }
0x9a: {  	v6 =	vsub.f32 v6, v4;
	v12 =	vsub.f32 v12, v4;
	v9 =	vmax.f32 v9, v10  }
0x9b: {  	v10 =	vsub.f32 v24, v4;
	v20 =	vperm.xlane v9, v3;
	v8 =	vadd.f32 v17, v8;
	v21 =	vpop (erf)  }
0x9c: {  	v11 =	vsub.f32 v11, v4;
	v6 =	vmul.f32 $1.442695020e+00, v6;
	v12 =	vmul.f32 $1.442695020e+00, v12;
	v4 =	vpop (erf)  }
0x9d: {  	v10 =	vmul.f32 $1.442695020e+00, v10;
	v9 =	vmax.f32 v9, v20;
	v17 =	vperm.xlane v8, v0;
	v19 =	vpop (erf)  }
0x9e: {  	v11 =	vmul.f32 $1.442695020e+00, v11;
	v13 =	vsub.f32 v13, v9;
	v20 =	vadd.f32 v19, v21;
	v23 =	vpop (erf)  }
0x9f: {  	v22 =	vsub.f32 v22, v9;
	v24 =	vadd.f32 v23, v4;
	(erf) = vpow2.f32 v10  }
0xa0: {  	v5 =	vsub.f32 v5, v9;
	v10 =	vmul.f32 $1.442695020e+00, v13;
	(erf) = vpow2.f32 v6  }
0xa1: {  	v6 =	vsub.f32 v7, v9;
	v7 =	vadd.f32 v24, v20;
	(erf) = vpow2.f32 v11  }
0xa2: {  	v5 =	vmul.f32 $1.442695020e+00, v5;
	v8 =	vadd.f32 v8, v17;
	(erf) = vpow2.f32 v12  }
0xa3: {  	v6 =	vmul.f32 $1.442695020e+00, v6;
	v9 =	vperm.xlane v7, v0  }
0xa4: {  	v11 =	vperm.xlane v8, v1;
	(erf) = vpow2.f32 v10  }
0xa5: {  	v10 =	vmul.f32 $1.442695020e+00, v22;
	v7 =	vadd.f32 v7, v9;
	(erf) = vpow2.f32 v6  }
0xa6: {  	v6 =	vadd.f32 v8, v11;
	(erf) = vpow2.f32 v5  }
0xa7: {  	v9 =	vperm.xlane v7, v1;
	(erf) = vpow2.f32 v10  }
0xa8: {  	v11 =	vperm.xlane v6, v2;
	v8 =	vpop (erf)  }
0xa9: {  	v5 =	vpop (erf)  }
0xaa: {  	v7 =	vadd.f32 v7, v9;
	v9 =	vadd.f32 v6, v11;
	v10 =	vpop (erf)  }
0xab: {  	v12 =	vpop (erf)  }
0xac: {  	v24 =	vadd.f32 v10, v8;
	v13 =	vperm.xlane v7, v2;
	v17 =	vperm.xlane v9, v3  }
0xad: {  	v20 =	vadd.f32 v12, v5;
	v6 =	vpop (erf)  }
0xae: {  	v13 =	vadd.f32 v7, v13;
	v17 =	vadd.f32 v9, v17;
	v7 =	vpop (erf)  }
0xaf: {  	v20 =	vadd.f32 v24, v20;
	v22 =	vadd.f32 v6, v7;
	v11 =	vpop (erf)  }
0xb0: {  	v24 =	vperm.xlane v13, v3;
	v9 =	vpop (erf);
	(erf) = vrcp.f32 v17  }
0xb1: {  	v17 =	vperm.xlane v20, v0;
	v25 =	vadd.f32 v9, v11  }
0xb2: {  	v13 =	vadd.f32 v13, v24  }
0xb3: {  	v17 =	vadd.f32 v20, v17;
	v20 =	vadd.f32 v22, v25  }
0xb4: {  	(erf) = vrcp.f32 v13  }
0xb5: {  	v13 =	vperm.xlane v17, v1;
	v22 =	vperm.xlane v20, v0;
	_ =	sdelay $0x1  }
0xb6: {  	v17 =	vadd.f32 v17, v13;
	v13 =	vadd.f32 v20, v22;
	_ =	sdelay $0x1  }
0xb7: {  	v20 =	vperm.xlane v17, v2;
	v22 =	vperm.xlane v13, v1;
	v24 =	vpop (erf)  }
0xb8: {  	v16 =	vmul.f32 v24, v16;
	v25 =	vmul.f32 v24, v14  }
.Ltmp0:
0xb9: {  	v13 =	vadd.f32 v13, v22;
	v22 =	vmul.f32 v24, v15;
	v24 =	vmul.f32 v24, v18;
	(pc) =	sbr.rel @p0 .LBB2_2-.Ltmp0, $4  }
0xba: {  	v14 =	vadd.f32 v17, v20;
	[tilespmem:s19+$0x70] =	vst v25  }
0xbb: {  	v17 =	vperm.xlane v13, v2;
	[tilespmem:s19+$0x60] =	vst v16;
	v15 =	vpop (erf)  }
0xbc: {  	v20 =	vperm.xlane v14, v3;
	v18 =	vmul.f32 v15, v21;
	[tilespmem:s19+$0x50] =	vst v24  }
0xbd: {  	v16 =	vmul.f32 v15, v19;
	v19 =	vmul.f32 v15, v23;
	s19 =	sadd.s32 $0x100, s19;
	[tilespmem:s17+$0x40] =	vst v22  }
0xbe: {  	v14 =	vadd.f32 v14, v20  }
0xbf: {  	v13 =	vadd.f32 v13, v17  }
0xc0: {  	(erf) = vrcp.f32 v14  }
0xc1: {  	v17 =	vperm.xlane v13, v3;
	_ =	sdelay $0x1  }
0xc2: {  	v13 =	vadd.f32 v13, v17;
	_ =	sdelay $0x1  }
0xc3: {  	(erf) = vrcp.f32 v13;
	_ =	sdelay $0x2  }
0xc4: {  	v4 =	vmul.f32 v15, v4  }
0xc5: {  	[tilespmem:s17+$0x0] =	vst v18;
	v60 =	vpop (erf)  }
0xc6: {  	[tilespmem:s17+$0x20] =	vst v4;
	v4 =	vmul.f32 v60, v8  }
0xc7: {  	[tilespmem:s17+$0x30] =	vst v19;
	v12 =	vmul.f32 v60, v12  }
0xc8: {  	[tilespmem:s17+$0x10] =	vst v16  }
0xc9: {  	v61 =	vmul.f32 v60, v10;
	[tilespmem:s17+$0xFFFFFF90] =	vst v12  }
0xca: {  	v5 =	vmul.f32 v60, v5;
	[tilespmem:s17+$0xFFFFFFA0] =	vst v4;
	v4 =	vpop (erf)  }
0xcb: {  	[tilespmem:s17+$0xFFFFFFB0] =	vst v61;
	v62 =	vmul.f32 v4, v11  }
0xcc: {  	[tilespmem:s17+$0xFFFFFF80] =	vst v5;
	v5 =	vmul.f32 v4, v6  }
0xcd: {  	v63 =	vmul.f32 v4, v7;
	[tilespmem:s17+$0xFFFFFFC0] =	vst v62  }
0xce: {  	s16 =	sadd.s32 $0x1, s16;
	v4 =	vmul.f32 v4, v9;
	[tilespmem:s17+$0xFFFFFFF0] =	vst v5  }
0xcf: {  	p0 =	sne.s32 s16, s6;
	[tilespmem:s17+$0xFFFFFFE0] =	vst v63  }
.Ltmp1:
0xd0: {  	[tilespmem:s17+$0xFFFFFFD0] =	vst v4;
	(pc) =	sbr.rel @p0 .LBB2_1-.Ltmp1, $4  }
0xd1: {  	[hbm4b:s5+s1] =	stream.linear.scatter [tilespmem:s9], [sflag:$0x2], $0x8000, $0x38;
	[tilespmem:$0x8200] =	vst v63  }
0xd2: {  	_ =	swait.ge [sflag:s7], $0x8000  }
0xd3: {  	[sflag:s7] =	ssyncset.done $0x0  }
0xd4: {  	[sflag:s7] =	ssyncadd.s32 $0xFFFF8000  }
0xd5: {  	_ =	sfence.sel $0x180000  }
0xd6: {  	[bflag:$0x0] =	sbarrier.arrive $0xFFFF  }
0xd7: {  	p0 =	sne.s32 s0, $0x0;
	_ =	strace $0x90000047  }
0xd8: {  	s0 =	sadd.s32 @!p0 $0x100000, s2;
	[bflag:$0x2] =	sbarrier.arrive $0xFFFF  }
0xd9: {  	[sflag:s0] =	ssyncadd.tile.s32 @!p0 $0x1;
	_ =	shalt  }
.Lfunc_end2:
_tile_overlayer_lowered:
.L_overlay_start_2:
0xda: {  	(tag) =	ssettag $0x2  }
0xdb: {  	s0 =	rddreg [dreg:$0x0];
	s2 =	stileid.u32  }
0xdc: {  	s1 =	rddreg [dreg:$0x1];
	p0 =	sne.s32 s2, $0x0  }
0xdd: {  	s3 =	rddreg [dreg:$0x2];
	[bflag:$0x3] =	sbarrier.arrive $0xFFFF;
	s2 =	simm.s32 @!p0 $0x1C02  }
0xde: {  	[timem:s3], [sflag:s2] =	dma.local @!p0 [hbm:s0], s1  }
0xdf: {  	s0 =	simm.s32 @!p0 $0x2  }
0xe0: {  	_ =	swait.ge @!p0 [sflag:s0], s1  }
0xe1: {  	s1 =	ssub.s32 @!p0 $0x0, s1;
	[sflag:s0] =	ssyncset.done @!p0 $0x0  }
0xe2: {  	[sflag:s0] =	ssyncadd.s32 @!p0 s1  }
0xe3: {  	[bflag:$0x3] =	sbarrier.arrive $0xFFFF  }
0xe4: {  	_ =	shalt  }

</sc_bundles>
